<compile_context>
chip_gen: v7x
topology: tpu7x:2x2x1
jax: 0.10.2.dev20260603
libtpu: 0.0.44.dev20260713+nightly
codegen_flags: <defaults>
</compile_context>

<pallas_src>
import functools

import jax
import jax.numpy as jnp
from jax import lax
from jax.experimental import pallas as pl
from jax.experimental.pallas import tpu as pltpu
from jax.experimental.pallas import tpu_sc as plsc

N = 100000
E = 6400000
F = 16
N_PAD = 102400
B = 80
K = 10
NW = 32
E_PER_W = E // NW
OUTER = E_PER_W // (K * B)
ZROWS = 640
RPT = N_PAD // 16


def _make_agg_kernel():
    mesh = plsc.VectorSubcoreMesh(core_axis_name="c", subcore_axis_name="s")

    @functools.partial(
        pl.kernel,
        out_type=jax.ShapeDtypeStruct((2, N_PAD, F), jnp.float32),
        scratch_types=[
            pltpu.VMEM((K * B,), jnp.int32),
            pltpu.VMEM((K * B,), jnp.int32),
            pltpu.VMEM((K * B, F), jnp.float32),
            pltpu.VMEM((ZROWS, F), jnp.float32),
            pltpu.VMEM_SHARED((N_PAD, F), jnp.float32),
            pltpu.SemaphoreType.DMA,
        ],
        mesh=mesh,
        compiler_params=pltpu.CompilerParams(use_tc_tiling_on_sc=False),
    )
    def agg(src_hbm, dst_hbm, table_hbm, out_hbm, sidx, didx, rows, zbuf, acc, sem):
        c = lax.axis_index("c")
        s = lax.axis_index("s")
        w = s * 2 + c

        def zero_row(i, _):
            zbuf[i, :] = jnp.zeros((F,), jnp.float32)
            return 0
        lax.fori_loop(0, ZROWS, zero_row, 0)

        def zero_copy(i, _):
            pltpu.sync_copy(zbuf, acc.at[pl.ds(s * RPT + i * ZROWS, ZROWS)])
            return 0
        lax.fori_loop(0, RPT // ZROWS, zero_copy, 0)

        plsc.subcore_barrier()

        def step(it, _):
            base = w * E_PER_W + it * (K * B)
            pltpu.sync_copy(src_hbm.at[pl.ds(base, K * B)], sidx)
            pltpu.sync_copy(dst_hbm.at[pl.ds(base, K * B)], didx)
            cps = [
                pltpu.async_copy(
                    table_hbm.at[sidx.at[pl.ds(j * B, B)]],
                    rows.at[pl.ds(j * B, B)],
                    sem,
                )
                for j in range(K)
            ]
            for cp in cps:
                cp.wait()
            for j in range(K):
                pltpu.sync_copy(
                    rows.at[pl.ds(j * B, B)],
                    acc.at[didx.at[pl.ds(j * B, B)]],
                    add=True,
                )
            return 0
        lax.fori_loop(0, OUTER, step, 0)

        plsc.subcore_barrier()

        pltpu.sync_copy(
            acc.at[pl.ds(s * RPT, RPT)],
            out_hbm.at[c, pl.ds(s * RPT, RPT)],
        )

    return agg


_agg = _make_agg_kernel()


M_PK = N_PAD // 8


def _mlp_body(h_ref, p0_ref, p1_ref, wa_ref, ba_ref, wb_ref, bb_ref, o_ref):
    g = h_ref[...] + p0_ref[...] + p1_ref[...]
    t = jnp.dot(g, wa_ref[...], preferred_element_type=jnp.float32) + ba_ref[...]
    t = jnp.maximum(t, 0.0)
    o_ref[...] = jnp.dot(t, wb_ref[...], preferred_element_type=jnp.float32) + bb_ref[...]


def _mlp(h, p0, p1, wa_blk, ba_t, wb_blk, bb_t):
    bm = 1600
    grid = (M_PK // bm,)
    row_spec = pl.BlockSpec((bm, 128), lambda i: (i, 0))
    w_spec = pl.BlockSpec((128, 128), lambda i: (0, 0))
    b_spec = pl.BlockSpec((1, 128), lambda i: (0, 0))
    return pl.pallas_call(
        _mlp_body,
        grid=grid,
        in_specs=[row_spec, row_spec, row_spec, w_spec, b_spec, w_spec, b_spec],
        out_specs=row_spec,
        out_shape=jax.ShapeDtypeStruct((M_PK, 128), jnp.float32),
    )(h, p0, p1, wa_blk, ba_t, wb_blk, bb_t)


def _blk(w):
    return jnp.kron(jnp.eye(8, dtype=jnp.float32), w)


def _tile(b):
    return jnp.tile(b.reshape(1, F), (1, 8))


def kernel(x, edge_index, W1a, b1a, W1b, b1b, W2a, b2a, W2b, b2b):
    f_in = x.shape[1]
    xp = jnp.pad(x, ((0, N_PAD - N), (0, F - f_in)))
    W1ap = jnp.pad(W1a, ((0, F - f_in), (0, 0)))
    ei = edge_index.astype(jnp.int32)
    src1 = ei[0]
    dst1 = ei[1]
    xpk = xp.reshape(M_PK, 128)

    parts1 = _agg(src1, dst1, xp)
    p1k = parts1.reshape(2, M_PK, 128)
    h1k = _mlp(xpk, p1k[0], p1k[1], _blk(W1ap), _tile(b1a), _blk(W1b), _tile(b1b))
    h1 = h1k.reshape(N_PAD, F)
    parts2 = _agg(src1, dst1, h1)
    p2k = parts2.reshape(2, M_PK, 128)
    outk = _mlp(h1k, p2k[0], p2k[1], _blk(W2a), _tile(b2a), _blk(W2b), _tile(b2b))
    return outk.reshape(N_PAD, F)[:N]

# --- scband reference (transcript-rebuilt; emitter-appended) ---
"""Pipeline reference for scband-gin-40802189312695 (READ-ONLY COPY).

The authoritative reference and input builder live on the scoring server;
editing this copy changes nothing except your own understanding.
"""

import jax, jax.numpy as jnp
import numpy as np

N = 100000
E = 6400000

def setup_inputs(seed: int = 0) -> dict:
    key = jax.random.key(seed)
    ks = jax.random.split(key, 10)
    x = jax.random.normal(ks[0], (N, 5), dtype=jnp.float32)
    edge_index = jax.random.randint(ks[1], (2, E), 0, N, dtype=jnp.int64)
    # conv1 MLP: Linear(5,16) -> ReLU -> Linear(16,16)
    W1a = jax.random.normal(ks[2], (5, 16), dtype=jnp.float32) * (1.0 / np.sqrt(5))
    b1a = jnp.zeros((16,), dtype=jnp.float32)
    W1b = jax.random.normal(ks[3], (16, 16), dtype=jnp.float32) * (1.0 / np.sqrt(16))
    b1b = jnp.zeros((16,), dtype=jnp.float32)
    # conv2 MLP: Linear(16,16) -> ReLU -> Linear(16,16)
    W2a = jax.random.normal(ks[4], (16, 16), dtype=jnp.float32) * (1.0 / np.sqrt(16))
    b2a = jnp.zeros((16,), dtype=jnp.float32)
    W2b = jax.random.normal(ks[5], (16, 16), dtype=jnp.float32) * (1.0 / np.sqrt(16))
    b2b = jnp.zeros((16,), dtype=jnp.float32)
    return {"x": x, "edge_index": edge_index, "W1a": W1a, "b1a": b1a, "W1b": W1b, "b1b": b1b, "W2a": W2a, "b2a": b2a, "W2b": W2b, "b2b": b2b}


def _gin_conv(x, edge_index, Wa, ba, Wb, bb, eps=0.0):
    src = edge_index[0]
    dst = edge_index[1]
    # sum aggregation of neighbor messages (scatter-add)
    agg = jnp.zeros(x.shape, dtype=x.dtype).at[dst].add(x[src])
    h = (1.0 + eps) * x + agg
    h = jnp.maximum(h @ Wa + ba, 0.0)
    return h @ Wb + bb


def reference(x, edge_index, W1a, b1a, W1b, b1b, W2a, b2a, W2b, b2b):
    h = _gin_conv(x, edge_index, W1a, b1a, W1b, b1b)
    h = _gin_conv(h, edge_index, W2a, b2a, W2b, b2b)
    return h

if __name__ == "__main__":
    import jax
    _d = setup_inputs()
    print(jax.jit(kernel)(*tuple(_d.values())))

</pallas_src>

<mosaic_0001>
#map = affine_map<(d0, d1) -> (0)>
#map1 = affine_map<(d0, d1) -> (0, 0)>
#map2 = affine_map<(d0, d1) -> (0, 0, 0)>
module attributes {stable_mosaic.version = 14 : i64} {
  func.func @agg(%arg0: i32, %arg1: i32, %arg2: memref<6400000xi32, #tpu.memory_space<hbm>>, %arg3: memref<6400000xi32, #tpu.memory_space<hbm>>, %arg4: memref<102400x16xf32, #tpu.memory_space<hbm>>, %arg5: memref<2x102400x16xf32, #tpu.memory_space<hbm>>, %arg6: memref<800xi32, #tpu.memory_space<vmem>>, %arg7: memref<800xi32, #tpu.memory_space<vmem>>, %arg8: memref<800x16xf32, #tpu.memory_space<vmem>>, %arg9: memref<640x16xf32, #tpu.memory_space<vmem>>, %arg10: memref<102400x16xf32, #tpu.memory_space<vmem_shared>>, %arg11: memref<!tpu.dma_semaphore, #tpu.memory_space<semaphore_mem>>) attributes {dimension_semantics = [#tpu.dimension_semantics<core_parallel>, #tpu.dimension_semantics<subcore_parallel>], iteration_bounds = array<i64: 2, 16>, scalar_prefetch = 0 : i64, scratch_operands = 6 : i64, tpu.core_type = #tpu.core_type<sc_vector_subcore>, window_params = [{transform_indices = #map}, {transform_indices = #map}, {transform_indices = #map1}, {transform_indices = #map2}]} {
    %mul3A = arith.constant 2 : i32
    %mul3A_0 = arith.muli %arg1, %mul3A : i32
    %add3A = arith.addi %mul3A_0, %arg0 : i32
    %scan3A = arith.constant 0 : i32
    %scan3A_1 = arith.constant 0 : i32
    %scan3A_2 = arith.constant 640 : i32
    %scan3A_3 = arith.addi %scan3A_1, %scan3A_2 : i32
    %scan3A_4 = arith.constant 1 : i32
    %scan3A_5 = scf.for %scan3A_26 = %scan3A_1 to %scan3A_3 step %scan3A_4 iter_args(%scan3A_27 = %scan3A) -> (i32)  : i32 {
      %broadcast_in_dim3A = arith.constant 0.000000e+00 : f32
      %broadcast_in_dim3A_28 = vector.broadcast %broadcast_in_dim3A : f32 to vector<16xf32>
      %swap3A = arith.index_cast %scan3A_26 : i32 to index
      %swap3A_29 = arith.constant 0 : index
      %swap3A_30 = tpu.vector_load %arg9[%swap3A, %swap3A_29] {strides = array<i32>} : memref<640x16xf32, #tpu.memory_space<vmem>>, vector<1x16xf32>,
      %swap3A_31 = vector.shape_cast %swap3A_30 : vector<1x16xf32> to vector<16xf32>
      %swap3A_32 = vector.shape_cast %broadcast_in_dim3A_28 : vector<16xf32> to vector<1x16xf32>
      tpu.vector_store %arg9[%swap3A, %swap3A_29], %swap3A_32 {strides = array<i32>} : memref<640x16xf32, #tpu.memory_space<vmem>>, vector<1x16xf32>,
      %scan3A_33 = arith.constant 0 : i32
      scf.yield %scan3A_33 : i32
    }
    %scan3A_6 = arith.constant 640 : i32
    %scan3A_7 = arith.constant 0 : i32
    %scan3A_8 = arith.constant 0 : i32
    %scan3A_9 = arith.constant 10 : i32
    %scan3A_10 = arith.addi %scan3A_8, %scan3A_9 : i32
    %scan3A_11 = arith.constant 1 : i32
    %scan3A_12 = scf.for %scan3A_26 = %scan3A_8 to %scan3A_10 step %scan3A_11 iter_args(%scan3A_27 = %scan3A_7) -> (i32)  : i32 {
      %mul3A_28 = arith.constant 6400 : i32
      %mul3A_29 = arith.muli %arg1, %mul3A_28 : i32
      %mul3A_30 = arith.constant 640 : i32
      %mul3A_31 = arith.muli %scan3A_26, %mul3A_30 : i32
      %add3A_32 = arith.addi %mul3A_29, %mul3A_31 : i32
      "tpu.region"() ({
        %run_scoped3A = tpu.sem_alloc : memref<!tpu.dma_semaphore, #tpu.memory_space<semaphore_mem>>
        %dma_start3A = arith.constant 0 : i32
        %dma_start3A_34 = tpu.memref_slice %arg10[%add3A_32, %dma_start3A] : memref<102400x16xf32, #tpu.memory_space<vmem_shared>> -> memref<640x16xf32, #tpu.memory_space<vmem_shared>>
        %dma_start3A_35 = arith.constant 0 : i32
        %dma_start3A_36 = tpu.memref_slice %arg10[%add3A_32, %dma_start3A_35] : memref<102400x16xf32, #tpu.memory_space<vmem_shared>> -> memref<640x16xf32, #tpu.memory_space<vmem_shared>>
        tpu.enqueue_dma source(%arg9 : memref<640x16xf32, #tpu.memory_space<vmem>>) target(%dma_start3A_36 : memref<640x16xf32, #tpu.memory_space<vmem_shared>>) target_semaphore(%run_scoped3A : memref<!tpu.dma_semaphore, #tpu.memory_space<semaphore_mem>>)
        %dma_wait3A = arith.constant 0 : i32
        %dma_wait3A_37 = tpu.memref_slice %arg10[%add3A_32, %dma_wait3A] : memref<102400x16xf32, #tpu.memory_space<vmem_shared>> -> memref<640x16xf32, #tpu.memory_space<vmem_shared>>
        %dma_wait3A_38 = arith.constant 0 : i32
        %dma_wait3A_39 = tpu.memref_slice %arg10[%add3A_32, %dma_wait3A_38] : memref<102400x16xf32, #tpu.memory_space<vmem_shared>> -> memref<640x16xf32, #tpu.memory_space<vmem_shared>>
        tpu.wait_dma2 semaphore(%run_scoped3A : memref<!tpu.dma_semaphore, #tpu.memory_space<semaphore_mem>>) src(%arg9 : memref<640x16xf32, #tpu.memory_space<vmem>>) dst(%dma_wait3A_39 : memref<640x16xf32, #tpu.memory_space<vmem_shared>>)
        tpu.yield
      }) : () -> ()
      %scan3A_33 = arith.constant 0 : i32
      scf.yield %scan3A_33 : i32
    }
    %scan3A_13 = arith.constant 10 : i32
    %barrier3A = arith.constant 0 : index
    tpu.barrier barrier_id(%barrier3A)
    %scan3A_14 = arith.constant 0 : i32
    %scan3A_15 = arith.constant 0 : i32
    %scan3A_16 = arith.constant 250 : i32
    %scan3A_17 = arith.addi %scan3A_15, %scan3A_16 : i32
    %scan3A_18 = arith.constant 1 : i32
    %scan3A_19 = scf.for %scan3A_26 = %scan3A_15 to %scan3A_17 step %scan3A_18 iter_args(%scan3A_27 = %scan3A_14) -> (i32)  : i32 {
      %mul3A_28 = arith.constant 200000 : i32
      %mul3A_29 = arith.muli %add3A, %mul3A_28 : i32
      %mul3A_30 = arith.constant 800 : i32
      %mul3A_31 = arith.muli %scan3A_26, %mul3A_30 : i32
      %add3A_32 = arith.addi %mul3A_29, %mul3A_31 : i32
      "tpu.region"() ({
        %run_scoped3A = tpu.sem_alloc : memref<!tpu.dma_semaphore, #tpu.memory_space<semaphore_mem>>
        %dma_start3A_192 = tpu.memref_slice %arg2[%add3A_32] : memref<6400000xi32, #tpu.memory_space<hbm>> -> memref<800xi32, #tpu.memory_space<hbm>>
        %dma_start3A_193 = tpu.memref_slice %arg2[%add3A_32] : memref<6400000xi32, #tpu.memory_space<hbm>> -> memref<800xi32, #tpu.memory_space<hbm>>
        tpu.enqueue_dma source(%dma_start3A_193 : memref<800xi32, #tpu.memory_space<hbm>>) target(%arg6 : memref<800xi32, #tpu.memory_space<vmem>>) target_semaphore(%run_scoped3A : memref<!tpu.dma_semaphore, #tpu.memory_space<semaphore_mem>>)
        %dma_wait3A_194 = tpu.memref_slice %arg2[%add3A_32] : memref<6400000xi32, #tpu.memory_space<hbm>> -> memref<800xi32, #tpu.memory_space<hbm>>
        %dma_wait3A_195 = tpu.memref_slice %arg2[%add3A_32] : memref<6400000xi32, #tpu.memory_space<hbm>> -> memref<800xi32, #tpu.memory_space<hbm>>
        tpu.wait_dma2 semaphore(%run_scoped3A : memref<!tpu.dma_semaphore, #tpu.memory_space<semaphore_mem>>) src(%dma_wait3A_195 : memref<800xi32, #tpu.memory_space<hbm>>) dst(%arg6 : memref<800xi32, #tpu.memory_space<vmem>>)
        tpu.yield
      }) : () -> ()
      "tpu.region"() ({
        %run_scoped3A = tpu.sem_alloc : memref<!tpu.dma_semaphore, #tpu.memory_space<semaphore_mem>>
        %dma_start3A_192 = tpu.memref_slice %arg3[%add3A_32] : memref<6400000xi32, #tpu.memory_space<hbm>> -> memref<800xi32, #tpu.memory_space<hbm>>
        %dma_start3A_193 = tpu.memref_slice %arg3[%add3A_32] : memref<6400000xi32, #tpu.memory_space<hbm>> -> memref<800xi32, #tpu.memory_space<hbm>>
        tpu.enqueue_dma source(%dma_start3A_193 : memref<800xi32, #tpu.memory_space<hbm>>) target(%arg7 : memref<800xi32, #tpu.memory_space<vmem>>) target_semaphore(%run_scoped3A : memref<!tpu.dma_semaphore, #tpu.memory_space<semaphore_mem>>)
        %dma_wait3A_194 = tpu.memref_slice %arg3[%add3A_32] : memref<6400000xi32, #tpu.memory_space<hbm>> -> memref<800xi32, #tpu.memory_space<hbm>>
        %dma_wait3A_195 = tpu.memref_slice %arg3[%add3A_32] : memref<6400000xi32, #tpu.memory_space<hbm>> -> memref<800xi32, #tpu.memory_space<hbm>>
        tpu.wait_dma2 semaphore(%run_scoped3A : memref<!tpu.dma_semaphore, #tpu.memory_space<semaphore_mem>>) src(%dma_wait3A_195 : memref<800xi32, #tpu.memory_space<hbm>>) dst(%arg7 : memref<800xi32, #tpu.memory_space<vmem>>)
        tpu.yield
      }) : () -> ()
      %dma_start3A = arith.constant 0 : i32
      %dma_start3A_33 = arith.constant 0 : i32
      %dma_start3A_34 = tpu.memref_slice %arg8[%dma_start3A, %dma_start3A_33] : memref<800x16xf32, #tpu.memory_space<vmem>> -> memref<80x16xf32, #tpu.memory_space<vmem>>
      %dma_start3A_35 = arith.constant 0 : i32
      %dma_start3A_36 = tpu.memref_slice %arg6[%dma_start3A_35] : memref<800xi32, #tpu.memory_space<vmem>> -> memref<80xi32, #tpu.memory_space<vmem>>
      %dma_start3A_37 = arith.constant 0 : i32
      %dma_start3A_38 = arith.constant 0 : i32
      %dma_start3A_39 = tpu.memref_slice %arg4[%dma_start3A_37, %dma_start3A_38] : memref<102400x16xf32, #tpu.memory_space<hbm>> -> memref<102400x16xf32, #tpu.memory_space<hbm>>
      tpu.enqueue_indirect_dma source(%dma_start3A_39 : memref<102400x16xf32, #tpu.memory_space<hbm>>) target(%dma_start3A_34 : memref<80x16xf32, #tpu.memory_space<vmem>>) offsets(%dma_start3A_36 : memref<80xi32, #tpu.memory_space<vmem>>) semaphore(%arg11 : memref<!tpu.dma_semaphore, #tpu.memory_space<semaphore_mem>>)
      %dma_start3A_40 = arith.constant 80 : i32
      %dma_start3A_41 = arith.constant 0 : i32
      %dma_start3A_42 = tpu.memref_slice %arg8[%dma_start3A_40, %dma_start3A_41] : memref<800x16xf32, #tpu.memory_space<vmem>> -> memref<80x16xf32, #tpu.memory_space<vmem>>
      %dma_start3A_43 = arith.constant 80 : i32
      %dma_start3A_44 = tpu.memref_slice %arg6[%dma_start3A_43] : memref<800xi32, #tpu.memory_space<vmem>> -> memref<80xi32, #tpu.memory_space<vmem>>
      %dma_start3A_45 = arith.constant 0 : i32
      %dma_start3A_46 = arith.constant 0 : i32
      %dma_start3A_47 = tpu.memref_slice %arg4[%dma_start3A_45, %dma_start3A_46] : memref<102400x16xf32, #tpu.memory_space<hbm>> -> memref<102400x16xf32, #tpu.memory_space<hbm>>
      tpu.enqueue_indirect_dma source(%dma_start3A_47 : memref<102400x16xf32, #tpu.memory_space<hbm>>) target(%dma_start3A_42 : memref<80x16xf32, #tpu.memory_space<vmem>>) offsets(%dma_start3A_44 : memref<80xi32, #tpu.memory_space<vmem>>) semaphore(%arg11 : memref<!tpu.dma_semaphore, #tpu.memory_space<semaphore_mem>>)
      %dma_start3A_48 = arith.constant 160 : i32
      %dma_start3A_49 = arith.constant 0 : i32
      %dma_start3A_50 = tpu.memref_slice %arg8[%dma_start3A_48, %dma_start3A_49] : memref<800x16xf32, #tpu.memory_space<vmem>> -> memref<80x16xf32, #tpu.memory_space<vmem>>
      %dma_start3A_51 = arith.constant 160 : i32
      %dma_start3A_52 = tpu.memref_slice %arg6[%dma_start3A_51] : memref<800xi32, #tpu.memory_space<vmem>> -> memref<80xi32, #tpu.memory_space<vmem>>
      %dma_start3A_53 = arith.constant 0 : i32
      %dma_start3A_54 = arith.constant 0 : i32
      %dma_start3A_55 = tpu.memref_slice %arg4[%dma_start3A_53, %dma_start3A_54] : memref<102400x16xf32, #tpu.memory_space<hbm>> -> memref<102400x16xf32, #tpu.memory_space<hbm>>
      tpu.enqueue_indirect_dma source(%dma_start3A_55 : memref<102400x16xf32, #tpu.memory_space<hbm>>) target(%dma_start3A_50 : memref<80x16xf32, #tpu.memory_space<vmem>>) offsets(%dma_start3A_52 : memref<80xi32, #tpu.memory_space<vmem>>) semaphore(%arg11 : memref<!tpu.dma_semaphore, #tpu.memory_space<semaphore_mem>>)
      %dma_start3A_56 = arith.constant 240 : i32
      %dma_start3A_57 = arith.constant 0 : i32
      %dma_start3A_58 = tpu.memref_slice %arg8[%dma_start3A_56, %dma_start3A_57] : memref<800x16xf32, #tpu.memory_space<vmem>> -> memref<80x16xf32, #tpu.memory_space<vmem>>
      %dma_start3A_59 = arith.constant 240 : i32
      %dma_start3A_60 = tpu.memref_slice %arg6[%dma_start3A_59] : memref<800xi32, #tpu.memory_space<vmem>> -> memref<80xi32, #tpu.memory_space<vmem>>
      %dma_start3A_61 = arith.constant 0 : i32
      %dma_start3A_62 = arith.constant 0 : i32
      %dma_start3A_63 = tpu.memref_slice %arg4[%dma_start3A_61, %dma_start3A_62] : memref<102400x16xf32, #tpu.memory_space<hbm>> -> memref<102400x16xf32, #tpu.memory_space<hbm>>
      tpu.enqueue_indirect_dma source(%dma_start3A_63 : memref<102400x16xf32, #tpu.memory_space<hbm>>) target(%dma_start3A_58 : memref<80x16xf32, #tpu.memory_space<vmem>>) offsets(%dma_start3A_60 : memref<80xi32, #tpu.memory_space<vmem>>) semaphore(%arg11 : memref<!tpu.dma_semaphore, #tpu.memory_space<semaphore_mem>>)
      %dma_start3A_64 = arith.constant 320 : i32
      %dma_start3A_65 = arith.constant 0 : i32
      %dma_start3A_66 = tpu.memref_slice %arg8[%dma_start3A_64, %dma_start3A_65] : memref<800x16xf32, #tpu.memory_space<vmem>> -> memref<80x16xf32, #tpu.memory_space<vmem>>
      %dma_start3A_67 = arith.constant 320 : i32
      %dma_start3A_68 = tpu.memref_slice %arg6[%dma_start3A_67] : memref<800xi32, #tpu.memory_space<vmem>> -> memref<80xi32, #tpu.memory_space<vmem>>
      %dma_start3A_69 = arith.constant 0 : i32
      %dma_start3A_70 = arith.constant 0 : i32
      %dma_start3A_71 = tpu.memref_slice %arg4[%dma_start3A_69, %dma_start3A_70] : memref<102400x16xf32, #tpu.memory_space<hbm>> -> memref<102400x16xf32, #tpu.memory_space<hbm>>
      tpu.enqueue_indirect_dma source(%dma_start3A_71 : memref<102400x16xf32, #tpu.memory_space<hbm>>) target(%dma_start3A_66 : memref<80x16xf32, #tpu.memory_space<vmem>>) offsets(%dma_start3A_68 : memref<80xi32, #tpu.memory_space<vmem>>) semaphore(%arg11 : memref<!tpu.dma_semaphore, #tpu.memory_space<semaphore_mem>>)
      %dma_start3A_72 = arith.constant 400 : i32
      %dma_start3A_73 = arith.constant 0 : i32
      %dma_start3A_74 = tpu.memref_slice %arg8[%dma_start3A_72, %dma_start3A_73] : memref<800x16xf32, #tpu.memory_space<vmem>> -> memref<80x16xf32, #tpu.memory_space<vmem>>
      %dma_start3A_75 = arith.constant 400 : i32
      %dma_start3A_76 = tpu.memref_slice %arg6[%dma_start3A_75] : memref<800xi32, #tpu.memory_space<vmem>> -> memref<80xi32, #tpu.memory_space<vmem>>
      %dma_start3A_77 = arith.constant 0 : i32
      %dma_start3A_78 = arith.constant 0 : i32
      %dma_start3A_79 = tpu.memref_slice %arg4[%dma_start3A_77, %dma_start3A_78] : memref<102400x16xf32, #tpu.memory_space<hbm>> -> memref<102400x16xf32, #tpu.memory_space<hbm>>
      tpu.enqueue_indirect_dma source(%dma_start3A_79 : memref<102400x16xf32, #tpu.memory_space<hbm>>) target(%dma_start3A_74 : memref<80x16xf32, #tpu.memory_space<vmem>>) offsets(%dma_start3A_76 : memref<80xi32, #tpu.memory_space<vmem>>) semaphore(%arg11 : memref<!tpu.dma_semaphore, #tpu.memory_space<semaphore_mem>>)
      %dma_start3A_80 = arith.constant 480 : i32
      %dma_start3A_81 = arith.constant 0 : i32
      %dma_start3A_82 = tpu.memref_slice %arg8[%dma_start3A_80, %dma_start3A_81] : memref<800x16xf32, #tpu.memory_space<vmem>> -> memref<80x16xf32, #tpu.memory_space<vmem>>
      %dma_start3A_83 = arith.constant 480 : i32
      %dma_start3A_84 = tpu.memref_slice %arg6[%dma_start3A_83] : memref<800xi32, #tpu.memory_space<vmem>> -> memref<80xi32, #tpu.memory_space<vmem>>
      %dma_start3A_85 = arith.constant 0 : i32
      %dma_start3A_86 = arith.constant 0 : i32
      %dma_start3A_87 = tpu.memref_slice %arg4[%dma_start3A_85, %dma_start3A_86] : memref<102400x16xf32, #tpu.memory_space<hbm>> -> memref<102400x16xf32, #tpu.memory_space<hbm>>
      tpu.enqueue_indirect_dma source(%dma_start3A_87 : memref<102400x16xf32, #tpu.memory_space<hbm>>) target(%dma_start3A_82 : memref<80x16xf32, #tpu.memory_space<vmem>>) offsets(%dma_start3A_84 : memref<80xi32, #tpu.memory_space<vmem>>) semaphore(%arg11 : memref<!tpu.dma_semaphore, #tpu.memory_space<semaphore_mem>>)
      %dma_start3A_88 = arith.constant 560 : i32
      %dma_start3A_89 = arith.constant 0 : i32
      %dma_start3A_90 = tpu.memref_slice %arg8[%dma_start3A_88, %dma_start3A_89] : memref<800x16xf32, #tpu.memory_space<vmem>> -> memref<80x16xf32, #tpu.memory_space<vmem>>
      %dma_start3A_91 = arith.constant 560 : i32
      %dma_start3A_92 = tpu.memref_slice %arg6[%dma_start3A_91] : memref<800xi32, #tpu.memory_space<vmem>> -> memref<80xi32, #tpu.memory_space<vmem>>
      %dma_start3A_93 = arith.constant 0 : i32
      %dma_start3A_94 = arith.constant 0 : i32
      %dma_start3A_95 = tpu.memref_slice %arg4[%dma_start3A_93, %dma_start3A_94] : memref<102400x16xf32, #tpu.memory_space<hbm>> -> memref<102400x16xf32, #tpu.memory_space<hbm>>
      tpu.enqueue_indirect_dma source(%dma_start3A_95 : memref<102400x16xf32, #tpu.memory_space<hbm>>) target(%dma_start3A_90 : memref<80x16xf32, #tpu.memory_space<vmem>>) offsets(%dma_start3A_92 : memref<80xi32, #tpu.memory_space<vmem>>) semaphore(%arg11 : memref<!tpu.dma_semaphore, #tpu.memory_space<semaphore_mem>>)
      %dma_start3A_96 = arith.constant 640 : i32
      %dma_start3A_97 = arith.constant 0 : i32
      %dma_start3A_98 = tpu.memref_slice %arg8[%dma_start3A_96, %dma_start3A_97] : memref<800x16xf32, #tpu.memory_space<vmem>> -> memref<80x16xf32, #tpu.memory_space<vmem>>
      %dma_start3A_99 = arith.constant 640 : i32
      %dma_start3A_100 = tpu.memref_slice %arg6[%dma_start3A_99] : memref<800xi32, #tpu.memory_space<vmem>> -> memref<80xi32, #tpu.memory_space<vmem>>
      %dma_start3A_101 = arith.constant 0 : i32
      %dma_start3A_102 = arith.constant 0 : i32
      %dma_start3A_103 = tpu.memref_slice %arg4[%dma_start3A_101, %dma_start3A_102] : memref<102400x16xf32, #tpu.memory_space<hbm>> -> memref<102400x16xf32, #tpu.memory_space<hbm>>
      tpu.enqueue_indirect_dma source(%dma_start3A_103 : memref<102400x16xf32, #tpu.memory_space<hbm>>) target(%dma_start3A_98 : memref<80x16xf32, #tpu.memory_space<vmem>>) offsets(%dma_start3A_100 : memref<80xi32, #tpu.memory_space<vmem>>) semaphore(%arg11 : memref<!tpu.dma_semaphore, #tpu.memory_space<semaphore_mem>>)
      %dma_start3A_104 = arith.constant 720 : i32
      %dma_start3A_105 = arith.constant 0 : i32
      %dma_start3A_106 = tpu.memref_slice %arg8[%dma_start3A_104, %dma_start3A_105] : memref<800x16xf32, #tpu.memory_space<vmem>> -> memref<80x16xf32, #tpu.memory_space<vmem>>
      %dma_start3A_107 = arith.constant 720 : i32
      %dma_start3A_108 = tpu.memref_slice %arg6[%dma_start3A_107] : memref<800xi32, #tpu.memory_space<vmem>> -> memref<80xi32, #tpu.memory_space<vmem>>
      %dma_start3A_109 = arith.constant 0 : i32
      %dma_start3A_110 = arith.constant 0 : i32
      %dma_start3A_111 = tpu.memref_slice %arg4[%dma_start3A_109, %dma_start3A_110] : memref<102400x16xf32, #tpu.memory_space<hbm>> -> memref<102400x16xf32, #tpu.memory_space<hbm>>
      tpu.enqueue_indirect_dma source(%dma_start3A_111 : memref<102400x16xf32, #tpu.memory_space<hbm>>) target(%dma_start3A_106 : memref<80x16xf32, #tpu.memory_space<vmem>>) offsets(%dma_start3A_108 : memref<80xi32, #tpu.memory_space<vmem>>) semaphore(%arg11 : memref<!tpu.dma_semaphore, #tpu.memory_space<semaphore_mem>>)
      %dma_wait3A = arith.constant 0 : i32
      %dma_wait3A_112 = arith.constant 0 : i32
      %dma_wait3A_113 = tpu.memref_slice %arg8[%dma_wait3A, %dma_wait3A_112] : memref<800x16xf32, #tpu.memory_space<vmem>> -> memref<80x16xf32, #tpu.memory_space<vmem>>
      %dma_wait3A_114 = arith.constant 0 : i32
      %dma_wait3A_115 = tpu.memref_slice %arg6[%dma_wait3A_114] : memref<800xi32, #tpu.memory_space<vmem>> -> memref<80xi32, #tpu.memory_space<vmem>>
      %dma_wait3A_116 = arith.constant 0 : i32
      %dma_wait3A_117 = arith.constant 0 : i32
      %dma_wait3A_118 = tpu.memref_slice %arg4[%dma_wait3A_116, %dma_wait3A_117] : memref<102400x16xf32, #tpu.memory_space<hbm>> -> memref<102400x16xf32, #tpu.memory_space<hbm>>
      tpu.wait_indirect_dma semaphore(%arg11 : memref<!tpu.dma_semaphore, #tpu.memory_space<semaphore_mem>>) src(%dma_wait3A_118 : memref<102400x16xf32, #tpu.memory_space<hbm>>) dst(%dma_wait3A_113 : memref<80x16xf32, #tpu.memory_space<vmem>>)
      %dma_wait3A_119 = arith.constant 80 : i32
      %dma_wait3A_120 = arith.constant 0 : i32
      %dma_wait3A_121 = tpu.memref_slice %arg8[%dma_wait3A_119, %dma_wait3A_120] : memref<800x16xf32, #tpu.memory_space<vmem>> -> memref<80x16xf32, #tpu.memory_space<vmem>>
      %dma_wait3A_122 = arith.constant 80 : i32
      %dma_wait3A_123 = tpu.memref_slice %arg6[%dma_wait3A_122] : memref<800xi32, #tpu.memory_space<vmem>> -> memref<80xi32, #tpu.memory_space<vmem>>
      %dma_wait3A_124 = arith.constant 0 : i32
      %dma_wait3A_125 = arith.constant 0 : i32
      %dma_wait3A_126 = tpu.memref_slice %arg4[%dma_wait3A_124, %dma_wait3A_125] : memref<102400x16xf32, #tpu.memory_space<hbm>> -> memref<102400x16xf32, #tpu.memory_space<hbm>>
      tpu.wait_indirect_dma semaphore(%arg11 : memref<!tpu.dma_semaphore, #tpu.memory_space<semaphore_mem>>) src(%dma_wait3A_126 : memref<102400x16xf32, #tpu.memory_space<hbm>>) dst(%dma_wait3A_121 : memref<80x16xf32, #tpu.memory_space<vmem>>)
      %dma_wait3A_127 = arith.constant 160 : i32
      %dma_wait3A_128 = arith.constant 0 : i32
      %dma_wait3A_129 = tpu.memref_slice %arg8[%dma_wait3A_127, %dma_wait3A_128] : memref<800x16xf32, #tpu.memory_space<vmem>> -> memref<80x16xf32, #tpu.memory_space<vmem>>
      %dma_wait3A_130 = arith.constant 160 : i32
      %dma_wait3A_131 = tpu.memref_slice %arg6[%dma_wait3A_130] : memref<800xi32, #tpu.memory_space<vmem>> -> memref<80xi32, #tpu.memory_space<vmem>>
      %dma_wait3A_132 = arith.constant 0 : i32
      %dma_wait3A_133 = arith.constant 0 : i32
      %dma_wait3A_134 = tpu.memref_slice %arg4[%dma_wait3A_132, %dma_wait3A_133] : memref<102400x16xf32, #tpu.memory_space<hbm>> -> memref<102400x16xf32, #tpu.memory_space<hbm>>
      tpu.wait_indirect_dma semaphore(%arg11 : memref<!tpu.dma_semaphore, #tpu.memory_space<semaphore_mem>>) src(%dma_wait3A_134 : memref<102400x16xf32, #tpu.memory_space<hbm>>) dst(%dma_wait3A_129 : memref<80x16xf32, #tpu.memory_space<vmem>>)
      %dma_wait3A_135 = arith.constant 240 : i32
      %dma_wait3A_136 = arith.constant 0 : i32
      %dma_wait3A_137 = tpu.memref_slice %arg8[%dma_wait3A_135, %dma_wait3A_136] : memref<800x16xf32, #tpu.memory_space<vmem>> -> memref<80x16xf32, #tpu.memory_space<vmem>>
      %dma_wait3A_138 = arith.constant 240 : i32
      %dma_wait3A_139 = tpu.memref_slice %arg6[%dma_wait3A_138] : memref<800xi32, #tpu.memory_space<vmem>> -> memref<80xi32, #tpu.memory_space<vmem>>
      %dma_wait3A_140 = arith.constant 0 : i32
      %dma_wait3A_141 = arith.constant 0 : i32
      %dma_wait3A_142 = tpu.memref_slice %arg4[%dma_wait3A_140, %dma_wait3A_141] : memref<102400x16xf32, #tpu.memory_space<hbm>> -> memref<102400x16xf32, #tpu.memory_space<hbm>>
      tpu.wait_indirect_dma semaphore(%arg11 : memref<!tpu.dma_semaphore, #tpu.memory_space<semaphore_mem>>) src(%dma_wait3A_142 : memref<102400x16xf32, #tpu.memory_space<hbm>>) dst(%dma_wait3A_137 : memref<80x16xf32, #tpu.memory_space<vmem>>)
      %dma_wait3A_143 = arith.constant 320 : i32
      %dma_wait3A_144 = arith.constant 0 : i32
      %dma_wait3A_145 = tpu.memref_slice %arg8[%dma_wait3A_143, %dma_wait3A_144] : memref<800x16xf32, #tpu.memory_space<vmem>> -> memref<80x16xf32, #tpu.memory_space<vmem>>
      %dma_wait3A_146 = arith.constant 320 : i32
      %dma_wait3A_147 = tpu.memref_slice %arg6[%dma_wait3A_146] : memref<800xi32, #tpu.memory_space<vmem>> -> memref<80xi32, #tpu.memory_space<vmem>>
      %dma_wait3A_148 = arith.constant 0 : i32
      %dma_wait3A_149 = arith.constant 0 : i32
      %dma_wait3A_150 = tpu.memref_slice %arg4[%dma_wait3A_148, %dma_wait3A_149] : memref<102400x16xf32, #tpu.memory_space<hbm>> -> memref<102400x16xf32, #tpu.memory_space<hbm>>
      tpu.wait_indirect_dma semaphore(%arg11 : memref<!tpu.dma_semaphore, #tpu.memory_space<semaphore_mem>>) src(%dma_wait3A_150 : memref<102400x16xf32, #tpu.memory_space<hbm>>) dst(%dma_wait3A_145 : memref<80x16xf32, #tpu.memory_space<vmem>>)
      %dma_wait3A_151 = arith.constant 400 : i32
      %dma_wait3A_152 = arith.constant 0 : i32
      %dma_wait3A_153 = tpu.memref_slice %arg8[%dma_wait3A_151, %dma_wait3A_152] : memref<800x16xf32, #tpu.memory_space<vmem>> -> memref<80x16xf32, #tpu.memory_space<vmem>>
      %dma_wait3A_154 = arith.constant 400 : i32
      %dma_wait3A_155 = tpu.memref_slice %arg6[%dma_wait3A_154] : memref<800xi32, #tpu.memory_space<vmem>> -> memref<80xi32, #tpu.memory_space<vmem>>
      %dma_wait3A_156 = arith.constant 0 : i32
      %dma_wait3A_157 = arith.constant 0 : i32
      %dma_wait3A_158 = tpu.memref_slice %arg4[%dma_wait3A_156, %dma_wait3A_157] : memref<102400x16xf32, #tpu.memory_space<hbm>> -> memref<102400x16xf32, #tpu.memory_space<hbm>>
      tpu.wait_indirect_dma semaphore(%arg11 : memref<!tpu.dma_semaphore, #tpu.memory_space<semaphore_mem>>) src(%dma_wait3A_158 : memref<102400x16xf32, #tpu.memory_space<hbm>>) dst(%dma_wait3A_153 : memref<80x16xf32, #tpu.memory_space<vmem>>)
      %dma_wait3A_159 = arith.constant 480 : i32
      %dma_wait3A_160 = arith.constant 0 : i32
      %dma_wait3A_161 = tpu.memref_slice %arg8[%dma_wait3A_159, %dma_wait3A_160] : memref<800x16xf32, #tpu.memory_space<vmem>> -> memref<80x16xf32, #tpu.memory_space<vmem>>
      %dma_wait3A_162 = arith.constant 480 : i32
      %dma_wait3A_163 = tpu.memref_slice %arg6[%dma_wait3A_162] : memref<800xi32, #tpu.memory_space<vmem>> -> memref<80xi32, #tpu.memory_space<vmem>>
      %dma_wait3A_164 = arith.constant 0 : i32
      %dma_wait3A_165 = arith.constant 0 : i32
      %dma_wait3A_166 = tpu.memref_slice %arg4[%dma_wait3A_164, %dma_wait3A_165] : memref<102400x16xf32, #tpu.memory_space<hbm>> -> memref<102400x16xf32, #tpu.memory_space<hbm>>
      tpu.wait_indirect_dma semaphore(%arg11 : memref<!tpu.dma_semaphore, #tpu.memory_space<semaphore_mem>>) src(%dma_wait3A_166 : memref<102400x16xf32, #tpu.memory_space<hbm>>) dst(%dma_wait3A_161 : memref<80x16xf32, #tpu.memory_space<vmem>>)
      %dma_wait3A_167 = arith.constant 560 : i32
      %dma_wait3A_168 = arith.constant 0 : i32
      %dma_wait3A_169 = tpu.memref_slice %arg8[%dma_wait3A_167, %dma_wait3A_168] : memref<800x16xf32, #tpu.memory_space<vmem>> -> memref<80x16xf32, #tpu.memory_space<vmem>>
      %dma_wait3A_170 = arith.constant 560 : i32
      %dma_wait3A_171 = tpu.memref_slice %arg6[%dma_wait3A_170] : memref<800xi32, #tpu.memory_space<vmem>> -> memref<80xi32, #tpu.memory_space<vmem>>
      %dma_wait3A_172 = arith.constant 0 : i32
      %dma_wait3A_173 = arith.constant 0 : i32
      %dma_wait3A_174 = tpu.memref_slice %arg4[%dma_wait3A_172, %dma_wait3A_173] : memref<102400x16xf32, #tpu.memory_space<hbm>> -> memref<102400x16xf32, #tpu.memory_space<hbm>>
      tpu.wait_indirect_dma semaphore(%arg11 : memref<!tpu.dma_semaphore, #tpu.memory_space<semaphore_mem>>) src(%dma_wait3A_174 : memref<102400x16xf32, #tpu.memory_space<hbm>>) dst(%dma_wait3A_169 : memref<80x16xf32, #tpu.memory_space<vmem>>)
      %dma_wait3A_175 = arith.constant 640 : i32
      %dma_wait3A_176 = arith.constant 0 : i32
      %dma_wait3A_177 = tpu.memref_slice %arg8[%dma_wait3A_175, %dma_wait3A_176] : memref<800x16xf32, #tpu.memory_space<vmem>> -> memref<80x16xf32, #tpu.memory_space<vmem>>
      %dma_wait3A_178 = arith.constant 640 : i32
      %dma_wait3A_179 = tpu.memref_slice %arg6[%dma_wait3A_178] : memref<800xi32, #tpu.memory_space<vmem>> -> memref<80xi32, #tpu.memory_space<vmem>>
      %dma_wait3A_180 = arith.constant 0 : i32
      %dma_wait3A_181 = arith.constant 0 : i32
      %dma_wait3A_182 = tpu.memref_slice %arg4[%dma_wait3A_180, %dma_wait3A_181] : memref<102400x16xf32, #tpu.memory_space<hbm>> -> memref<102400x16xf32, #tpu.memory_space<hbm>>
      tpu.wait_indirect_dma semaphore(%arg11 : memref<!tpu.dma_semaphore, #tpu.memory_space<semaphore_mem>>) src(%dma_wait3A_182 : memref<102400x16xf32, #tpu.memory_space<hbm>>) dst(%dma_wait3A_177 : memref<80x16xf32, #tpu.memory_space<vmem>>)
      %dma_wait3A_183 = arith.constant 720 : i32
      %dma_wait3A_184 = arith.constant 0 : i32
      %dma_wait3A_185 = tpu.memref_slice %arg8[%dma_wait3A_183, %dma_wait3A_184] : memref<800x16xf32, #tpu.memory_space<vmem>> -> memref<80x16xf32, #tpu.memory_space<vmem>>
      %dma_wait3A_186 = arith.constant 720 : i32
      %dma_wait3A_187 = tpu.memref_slice %arg6[%dma_wait3A_186] : memref<800xi32, #tpu.memory_space<vmem>> -> memref<80xi32, #tpu.memory_space<vmem>>
      %dma_wait3A_188 = arith.constant 0 : i32
      %dma_wait3A_189 = arith.constant 0 : i32
      %dma_wait3A_190 = tpu.memref_slice %arg4[%dma_wait3A_188, %dma_wait3A_189] : memref<102400x16xf32, #tpu.memory_space<hbm>> -> memref<102400x16xf32, #tpu.memory_space<hbm>>
      tpu.wait_indirect_dma semaphore(%arg11 : memref<!tpu.dma_semaphore, #tpu.memory_space<semaphore_mem>>) src(%dma_wait3A_190 : memref<102400x16xf32, #tpu.memory_space<hbm>>) dst(%dma_wait3A_185 : memref<80x16xf32, #tpu.memory_space<vmem>>)
      "tpu.region"() ({
        %run_scoped3A = tpu.sem_alloc : memref<!tpu.dma_semaphore, #tpu.memory_space<semaphore_mem>>
        %dma_start3A_192 = arith.constant 0 : i32
        %dma_start3A_193 = arith.constant 0 : i32
        %dma_start3A_194 = tpu.memref_slice %arg8[%dma_start3A_192, %dma_start3A_193] : memref<800x16xf32, #tpu.memory_space<vmem>> -> memref<80x16xf32, #tpu.memory_space<vmem>>
        %dma_start3A_195 = arith.constant 0 : i32
        %dma_start3A_196 = tpu.memref_slice %arg7[%dma_start3A_195] : memref<800xi32, #tpu.memory_space<vmem>> -> memref<80xi32, #tpu.memory_space<vmem>>
        %dma_start3A_197 = arith.constant 0 : i32
        %dma_start3A_198 = arith.constant 0 : i32
        %dma_start3A_199 = tpu.memref_slice %arg10[%dma_start3A_197, %dma_start3A_198] : memref<102400x16xf32, #tpu.memory_space<vmem_shared>> -> memref<102400x16xf32, #tpu.memory_space<vmem_shared>>
        tpu.enqueue_indirect_dma source(%dma_start3A_194 : memref<80x16xf32, #tpu.memory_space<vmem>>) target(%dma_start3A_199 : memref<102400x16xf32, #tpu.memory_space<vmem_shared>>) offsets(%dma_start3A_196 : memref<80xi32, #tpu.memory_space<vmem>>) semaphore(%run_scoped3A : memref<!tpu.dma_semaphore, #tpu.memory_space<semaphore_mem>>) {add = true}
        %dma_wait3A_200 = arith.constant 0 : i32
        %dma_wait3A_201 = arith.constant 0 : i32
        %dma_wait3A_202 = tpu.memref_slice %arg8[%dma_wait3A_200, %dma_wait3A_201] : memref<800x16xf32, #tpu.memory_space<vmem>> -> memref<80x16xf32, #tpu.memory_space<vmem>>
        %dma_wait3A_203 = arith.constant 0 : i32
        %dma_wait3A_204 = tpu.memref_slice %arg7[%dma_wait3A_203] : memref<800xi32, #tpu.memory_space<vmem>> -> memref<80xi32, #tpu.memory_space<vmem>>
        %dma_wait3A_205 = arith.constant 0 : i32
        %dma_wait3A_206 = arith.constant 0 : i32
        %dma_wait3A_207 = tpu.memref_slice %arg10[%dma_wait3A_205, %dma_wait3A_206] : memref<102400x16xf32, #tpu.memory_space<vmem_shared>> -> memref<102400x16xf32, #tpu.memory_space<vmem_shared>>
        tpu.wait_indirect_dma semaphore(%run_scoped3A : memref<!tpu.dma_semaphore, #tpu.memory_space<semaphore_mem>>) src(%dma_wait3A_202 : memref<80x16xf32, #tpu.memory_space<vmem>>) dst(%dma_wait3A_207 : memref<102400x16xf32, #tpu.memory_space<vmem_shared>>)
        tpu.yield
      }) : () -> ()
      "tpu.region"() ({
        %run_scoped3A = tpu.sem_alloc : memref<!tpu.dma_semaphore, #tpu.memory_space<semaphore_mem>>
        %dma_start3A_192 = arith.constant 80 : i32
        %dma_start3A_193 = arith.constant 0 : i32
        %dma_start3A_194 = tpu.memref_slice %arg8[%dma_start3A_192, %dma_start3A_193] : memref<800x16xf32, #tpu.memory_space<vmem>> -> memref<80x16xf32, #tpu.memory_space<vmem>>
        %dma_start3A_195 = arith.constant 80 : i32
        %dma_start3A_196 = tpu.memref_slice %arg7[%dma_start3A_195] : memref<800xi32, #tpu.memory_space<vmem>> -> memref<80xi32, #tpu.memory_space<vmem>>
        %dma_start3A_197 = arith.constant 0 : i32
        %dma_start3A_198 = arith.constant 0 : i32
        %dma_start3A_199 = tpu.memref_slice %arg10[%dma_start3A_197, %dma_start3A_198] : memref<102400x16xf32, #tpu.memory_space<vmem_shared>> -> memref<102400x16xf32, #tpu.memory_space<vmem_shared>>
        tpu.enqueue_indirect_dma source(%dma_start3A_194 : memref<80x16xf32, #tpu.memory_space<vmem>>) target(%dma_start3A_199 : memref<102400x16xf32, #tpu.memory_space<vmem_shared>>) offsets(%dma_start3A_196 : memref<80xi32, #tpu.memory_space<vmem>>) semaphore(%run_scoped3A : memref<!tpu.dma_semaphore, #tpu.memory_space<semaphore_mem>>) {add = true}
        %dma_wait3A_200 = arith.constant 80 : i32
        %dma_wait3A_201 = arith.constant 0 : i32
        %dma_wait3A_202 = tpu.memref_slice %arg8[%dma_wait3A_200, %dma_wait3A_201] : memref<800x16xf32, #tpu.memory_space<vmem>> -> memref<80x16xf32, #tpu.memory_space<vmem>>
        %dma_wait3A_203 = arith.constant 80 : i32
        %dma_wait3A_204 = tpu.memref_slice %arg7[%dma_wait3A_203] : memref<800xi32, #tpu.memory_space<vmem>> -> memref<80xi32, #tpu.memory_space<vmem>>
        %dma_wait3A_205 = arith.constant 0 : i32
        %dma_wait3A_206 = arith.constant 0 : i32
        %dma_wait3A_207 = tpu.memref_slice %arg10[%dma_wait3A_205, %dma_wait3A_206] : memref<102400x16xf32, #tpu.memory_space<vmem_shared>> -> memref<102400x16xf32, #tpu.memory_space<vmem_shared>>
        tpu.wait_indirect_dma semaphore(%run_scoped3A : memref<!tpu.dma_semaphore, #tpu.memory_space<semaphore_mem>>) src(%dma_wait3A_202 : memref<80x16xf32, #tpu.memory_space<vmem>>) dst(%dma_wait3A_207 : memref<102400x16xf32, #tpu.memory_space<vmem_shared>>)
        tpu.yield
      }) : () -> ()
      "tpu.region"() ({
        %run_scoped3A = tpu.sem_alloc : memref<!tpu.dma_semaphore, #tpu.memory_space<semaphore_mem>>
        %dma_start3A_192 = arith.constant 160 : i32
        %dma_start3A_193 = arith.constant 0 : i32
        %dma_start3A_194 = tpu.memref_slice %arg8[%dma_start3A_192, %dma_start3A_193] : memref<800x16xf32, #tpu.memory_space<vmem>> -> memref<80x16xf32, #tpu.memory_space<vmem>>
        %dma_start3A_195 = arith.constant 160 : i32
        %dma_start3A_196 = tpu.memref_slice %arg7[%dma_start3A_195] : memref<800xi32, #tpu.memory_space<vmem>> -> memref<80xi32, #tpu.memory_space<vmem>>
        %dma_start3A_197 = arith.constant 0 : i32
        %dma_start3A_198 = arith.constant 0 : i32
        %dma_start3A_199 = tpu.memref_slice %arg10[%dma_start3A_197, %dma_start3A_198] : memref<102400x16xf32, #tpu.memory_space<vmem_shared>> -> memref<102400x16xf32, #tpu.memory_space<vmem_shared>>
        tpu.enqueue_indirect_dma source(%dma_start3A_194 : memref<80x16xf32, #tpu.memory_space<vmem>>) target(%dma_start3A_199 : memref<102400x16xf32, #tpu.memory_space<vmem_shared>>) offsets(%dma_start3A_196 : memref<80xi32, #tpu.memory_space<vmem>>) semaphore(%run_scoped3A : memref<!tpu.dma_semaphore, #tpu.memory_space<semaphore_mem>>) {add = true}
        %dma_wait3A_200 = arith.constant 160 : i32
        %dma_wait3A_201 = arith.constant 0 : i32
        %dma_wait3A_202 = tpu.memref_slice %arg8[%dma_wait3A_200, %dma_wait3A_201] : memref<800x16xf32, #tpu.memory_space<vmem>> -> memref<80x16xf32, #tpu.memory_space<vmem>>
        %dma_wait3A_203 = arith.constant 160 : i32
        %dma_wait3A_204 = tpu.memref_slice %arg7[%dma_wait3A_203] : memref<800xi32, #tpu.memory_space<vmem>> -> memref<80xi32, #tpu.memory_space<vmem>>
        %dma_wait3A_205 = arith.constant 0 : i32
        %dma_wait3A_206 = arith.constant 0 : i32
        %dma_wait3A_207 = tpu.memref_slice %arg10[%dma_wait3A_205, %dma_wait3A_206] : memref<102400x16xf32, #tpu.memory_space<vmem_shared>> -> memref<102400x16xf32, #tpu.memory_space<vmem_shared>>
        tpu.wait_indirect_dma semaphore(%run_scoped3A : memref<!tpu.dma_semaphore, #tpu.memory_space<semaphore_mem>>) src(%dma_wait3A_202 : memref<80x16xf32, #tpu.memory_space<vmem>>) dst(%dma_wait3A_207 : memref<102400x16xf32, #tpu.memory_space<vmem_shared>>)
        tpu.yield
      }) : () -> ()
      "tpu.region"() ({
        %run_scoped3A = tpu.sem_alloc : memref<!tpu.dma_semaphore, #tpu.memory_space<semaphore_mem>>
        %dma_start3A_192 = arith.constant 240 : i32
        %dma_start3A_193 = arith.constant 0 : i32
        %dma_start3A_194 = tpu.memref_slice %arg8[%dma_start3A_192, %dma_start3A_193] : memref<800x16xf32, #tpu.memory_space<vmem>> -> memref<80x16xf32, #tpu.memory_space<vmem>>
        %dma_start3A_195 = arith.constant 240 : i32
        %dma_start3A_196 = tpu.memref_slice %arg7[%dma_start3A_195] : memref<800xi32, #tpu.memory_space<vmem>> -> memref<80xi32, #tpu.memory_space<vmem>>
        %dma_start3A_197 = arith.constant 0 : i32
        %dma_start3A_198 = arith.constant 0 : i32
        %dma_start3A_199 = tpu.memref_slice %arg10[%dma_start3A_197, %dma_start3A_198] : memref<102400x16xf32, #tpu.memory_space<vmem_shared>> -> memref<102400x16xf32, #tpu.memory_space<vmem_shared>>
        tpu.enqueue_indirect_dma source(%dma_start3A_194 : memref<80x16xf32, #tpu.memory_space<vmem>>) target(%dma_start3A_199 : memref<102400x16xf32, #tpu.memory_space<vmem_shared>>) offsets(%dma_start3A_196 : memref<80xi32, #tpu.memory_space<vmem>>) semaphore(%run_scoped3A : memref<!tpu.dma_semaphore, #tpu.memory_space<semaphore_mem>>) {add = true}
        %dma_wait3A_200 = arith.constant 240 : i32
        %dma_wait3A_201 = arith.constant 0 : i32
        %dma_wait3A_202 = tpu.memref_slice %arg8[%dma_wait3A_200, %dma_wait3A_201] : memref<800x16xf32, #tpu.memory_space<vmem>> -> memref<80x16xf32, #tpu.memory_space<vmem>>
        %dma_wait3A_203 = arith.constant 240 : i32
        %dma_wait3A_204 = tpu.memref_slice %arg7[%dma_wait3A_203] : memref<800xi32, #tpu.memory_space<vmem>> -> memref<80xi32, #tpu.memory_space<vmem>>
        %dma_wait3A_205 = arith.constant 0 : i32
        %dma_wait3A_206 = arith.constant 0 : i32
        %dma_wait3A_207 = tpu.memref_slice %arg10[%dma_wait3A_205, %dma_wait3A_206] : memref<102400x16xf32, #tpu.memory_space<vmem_shared>> -> memref<102400x16xf32, #tpu.memory_space<vmem_shared>>
        tpu.wait_indirect_dma semaphore(%run_scoped3A : memref<!tpu.dma_semaphore, #tpu.memory_space<semaphore_mem>>) src(%dma_wait3A_202 : memref<80x16xf32, #tpu.memory_space<vmem>>) dst(%dma_wait3A_207 : memref<102400x16xf32, #tpu.memory_space<vmem_shared>>)
        tpu.yield
      }) : () -> ()
      "tpu.region"() ({
        %run_scoped3A = tpu.sem_alloc : memref<!tpu.dma_semaphore, #tpu.memory_space<semaphore_mem>>
        %dma_start3A_192 = arith.constant 320 : i32
        %dma_start3A_193 = arith.constant 0 : i32
        %dma_start3A_194 = tpu.memref_slice %arg8[%dma_start3A_192, %dma_start3A_193] : memref<800x16xf32, #tpu.memory_space<vmem>> -> memref<80x16xf32, #tpu.memory_space<vmem>>
        %dma_start3A_195 = arith.constant 320 : i32
        %dma_start3A_196 = tpu.memref_slice %arg7[%dma_start3A_195] : memref<800xi32, #tpu.memory_space<vmem>> -> memref<80xi32, #tpu.memory_space<vmem>>
        %dma_start3A_197 = arith.constant 0 : i32
        %dma_start3A_198 = arith.constant 0 : i32
        %dma_start3A_199 = tpu.memref_slice %arg10[%dma_start3A_197, %dma_start3A_198] : memref<102400x16xf32, #tpu.memory_space<vmem_shared>> -> memref<102400x16xf32, #tpu.memory_space<vmem_shared>>
        tpu.enqueue_indirect_dma source(%dma_start3A_194 : memref<80x16xf32, #tpu.memory_space<vmem>>) target(%dma_start3A_199 : memref<102400x16xf32, #tpu.memory_space<vmem_shared>>) offsets(%dma_start3A_196 : memref<80xi32, #tpu.memory_space<vmem>>) semaphore(%run_scoped3A : memref<!tpu.dma_semaphore, #tpu.memory_space<semaphore_mem>>) {add = true}
        %dma_wait3A_200 = arith.constant 320 : i32
        %dma_wait3A_201 = arith.constant 0 : i32
        %dma_wait3A_202 = tpu.memref_slice %arg8[%dma_wait3A_200, %dma_wait3A_201] : memref<800x16xf32, #tpu.memory_space<vmem>> -> memref<80x16xf32, #tpu.memory_space<vmem>>
        %dma_wait3A_203 = arith.constant 320 : i32
        %dma_wait3A_204 = tpu.memref_slice %arg7[%dma_wait3A_203] : memref<800xi32, #tpu.memory_space<vmem>> -> memref<80xi32, #tpu.memory_space<vmem>>
        %dma_wait3A_205 = arith.constant 0 : i32
        %dma_wait3A_206 = arith.constant 0 : i32
        %dma_wait3A_207 = tpu.memref_slice %arg10[%dma_wait3A_205, %dma_wait3A_206] : memref<102400x16xf32, #tpu.memory_space<vmem_shared>> -> memref<102400x16xf32, #tpu.memory_space<vmem_shared>>
        tpu.wait_indirect_dma semaphore(%run_scoped3A : memref<!tpu.dma_semaphore, #tpu.memory_space<semaphore_mem>>) src(%dma_wait3A_202 : memref<80x16xf32, #tpu.memory_space<vmem>>) dst(%dma_wait3A_207 : memref<102400x16xf32, #tpu.memory_space<vmem_shared>>)
        tpu.yield
      }) : () -> ()
      "tpu.region"() ({
        %run_scoped3A = tpu.sem_alloc : memref<!tpu.dma_semaphore, #tpu.memory_space<semaphore_mem>>
        %dma_start3A_192 = arith.constant 400 : i32
        %dma_start3A_193 = arith.constant 0 : i32
        %dma_start3A_194 = tpu.memref_slice %arg8[%dma_start3A_192, %dma_start3A_193] : memref<800x16xf32, #tpu.memory_space<vmem>> -> memref<80x16xf32, #tpu.memory_space<vmem>>
        %dma_start3A_195 = arith.constant 400 : i32
        %dma_start3A_196 = tpu.memref_slice %arg7[%dma_start3A_195] : memref<800xi32, #tpu.memory_space<vmem>> -> memref<80xi32, #tpu.memory_space<vmem>>
        %dma_start3A_197 = arith.constant 0 : i32
        %dma_start3A_198 = arith.constant 0 : i32
        %dma_start3A_199 = tpu.memref_slice %arg10[%dma_start3A_197, %dma_start3A_198] : memref<102400x16xf32, #tpu.memory_space<vmem_shared>> -> memref<102400x16xf32, #tpu.memory_space<vmem_shared>>
        tpu.enqueue_indirect_dma source(%dma_start3A_194 : memref<80x16xf32, #tpu.memory_space<vmem>>) target(%dma_start3A_199 : memref<102400x16xf32, #tpu.memory_space<vmem_shared>>) offsets(%dma_start3A_196 : memref<80xi32, #tpu.memory_space<vmem>>) semaphore(%run_scoped3A : memref<!tpu.dma_semaphore, #tpu.memory_space<semaphore_mem>>) {add = true}
        %dma_wait3A_200 = arith.constant 400 : i32
        %dma_wait3A_201 = arith.constant 0 : i32
        %dma_wait3A_202 = tpu.memref_slice %arg8[%dma_wait3A_200, %dma_wait3A_201] : memref<800x16xf32, #tpu.memory_space<vmem>> -> memref<80x16xf32, #tpu.memory_space<vmem>>
        %dma_wait3A_203 = arith.constant 400 : i32
        %dma_wait3A_204 = tpu.memref_slice %arg7[%dma_wait3A_203] : memref<800xi32, #tpu.memory_space<vmem>> -> memref<80xi32, #tpu.memory_space<vmem>>
        %dma_wait3A_205 = arith.constant 0 : i32
        %dma_wait3A_206 = arith.constant 0 : i32
        %dma_wait3A_207 = tpu.memref_slice %arg10[%dma_wait3A_205, %dma_wait3A_206] : memref<102400x16xf32, #tpu.memory_space<vmem_shared>> -> memref<102400x16xf32, #tpu.memory_space<vmem_shared>>
        tpu.wait_indirect_dma semaphore(%run_scoped3A : memref<!tpu.dma_semaphore, #tpu.memory_space<semaphore_mem>>) src(%dma_wait3A_202 : memref<80x16xf32, #tpu.memory_space<vmem>>) dst(%dma_wait3A_207 : memref<102400x16xf32, #tpu.memory_space<vmem_shared>>)
        tpu.yield
      }) : () -> ()
      "tpu.region"() ({
        %run_scoped3A = tpu.sem_alloc : memref<!tpu.dma_semaphore, #tpu.memory_space<semaphore_mem>>
        %dma_start3A_192 = arith.constant 480 : i32
        %dma_start3A_193 = arith.constant 0 : i32
        %dma_start3A_194 = tpu.memref_slice %arg8[%dma_start3A_192, %dma_start3A_193] : memref<800x16xf32, #tpu.memory_space<vmem>> -> memref<80x16xf32, #tpu.memory_space<vmem>>
        %dma_start3A_195 = arith.constant 480 : i32
        %dma_start3A_196 = tpu.memref_slice %arg7[%dma_start3A_195] : memref<800xi32, #tpu.memory_space<vmem>> -> memref<80xi32, #tpu.memory_space<vmem>>
        %dma_start3A_197 = arith.constant 0 : i32
        %dma_start3A_198 = arith.constant 0 : i32
        %dma_start3A_199 = tpu.memref_slice %arg10[%dma_start3A_197, %dma_start3A_198] : memref<102400x16xf32, #tpu.memory_space<vmem_shared>> -> memref<102400x16xf32, #tpu.memory_space<vmem_shared>>
        tpu.enqueue_indirect_dma source(%dma_start3A_194 : memref<80x16xf32, #tpu.memory_space<vmem>>) target(%dma_start3A_199 : memref<102400x16xf32, #tpu.memory_space<vmem_shared>>) offsets(%dma_start3A_196 : memref<80xi32, #tpu.memory_space<vmem>>) semaphore(%run_scoped3A : memref<!tpu.dma_semaphore, #tpu.memory_space<semaphore_mem>>) {add = true}
        %dma_wait3A_200 = arith.constant 480 : i32
        %dma_wait3A_201 = arith.constant 0 : i32
        %dma_wait3A_202 = tpu.memref_slice %arg8[%dma_wait3A_200, %dma_wait3A_201] : memref<800x16xf32, #tpu.memory_space<vmem>> -> memref<80x16xf32, #tpu.memory_space<vmem>>
        %dma_wait3A_203 = arith.constant 480 : i32
        %dma_wait3A_204 = tpu.memref_slice %arg7[%dma_wait3A_203] : memref<800xi32, #tpu.memory_space<vmem>> -> memref<80xi32, #tpu.memory_space<vmem>>
        %dma_wait3A_205 = arith.constant 0 : i32
        %dma_wait3A_206 = arith.constant 0 : i32
        %dma_wait3A_207 = tpu.memref_slice %arg10[%dma_wait3A_205, %dma_wait3A_206] : memref<102400x16xf32, #tpu.memory_space<vmem_shared>> -> memref<102400x16xf32, #tpu.memory_space<vmem_shared>>
        tpu.wait_indirect_dma semaphore(%run_scoped3A : memref<!tpu.dma_semaphore, #tpu.memory_space<semaphore_mem>>) src(%dma_wait3A_202 : memref<80x16xf32, #tpu.memory_space<vmem>>) dst(%dma_wait3A_207 : memref<102400x16xf32, #tpu.memory_space<vmem_shared>>)
        tpu.yield
      }) : () -> ()
      "tpu.region"() ({
        %run_scoped3A = tpu.sem_alloc : memref<!tpu.dma_semaphore, #tpu.memory_space<semaphore_mem>>
        %dma_start3A_192 = arith.constant 560 : i32
        %dma_start3A_193 = arith.constant 0 : i32
        %dma_start3A_194 = tpu.memref_slice %arg8[%dma_start3A_192, %dma_start3A_193] : memref<800x16xf32, #tpu.memory_space<vmem>> -> memref<80x16xf32, #tpu.memory_space<vmem>>
        %dma_start3A_195 = arith.constant 560 : i32
        %dma_start3A_196 = tpu.memref_slice %arg7[%dma_start3A_195] : memref<800xi32, #tpu.memory_space<vmem>> -> memref<80xi32, #tpu.memory_space<vmem>>
        %dma_start3A_197 = arith.constant 0 : i32
        %dma_start3A_198 = arith.constant 0 : i32
        %dma_start3A_199 = tpu.memref_slice %arg10[%dma_start3A_197, %dma_start3A_198] : memref<102400x16xf32, #tpu.memory_space<vmem_shared>> -> memref<102400x16xf32, #tpu.memory_space<vmem_shared>>
        tpu.enqueue_indirect_dma source(%dma_start3A_194 : memref<80x16xf32, #tpu.memory_space<vmem>>) target(%dma_start3A_199 : memref<102400x16xf32, #tpu.memory_space<vmem_shared>>) offsets(%dma_start3A_196 : memref<80xi32, #tpu.memory_space<vmem>>) semaphore(%run_scoped3A : memref<!tpu.dma_semaphore, #tpu.memory_space<semaphore_mem>>) {add = true}
        %dma_wait3A_200 = arith.constant 560 : i32
        %dma_wait3A_201 = arith.constant 0 : i32
        %dma_wait3A_202 = tpu.memref_slice %arg8[%dma_wait3A_200, %dma_wait3A_201] : memref<800x16xf32, #tpu.memory_space<vmem>> -> memref<80x16xf32, #tpu.memory_space<vmem>>
        %dma_wait3A_203 = arith.constant 560 : i32
        %dma_wait3A_204 = tpu.memref_slice %arg7[%dma_wait3A_203] : memref<800xi32, #tpu.memory_space<vmem>> -> memref<80xi32, #tpu.memory_space<vmem>>
        %dma_wait3A_205 = arith.constant 0 : i32
        %dma_wait3A_206 = arith.constant 0 : i32
        %dma_wait3A_207 = tpu.memref_slice %arg10[%dma_wait3A_205, %dma_wait3A_206] : memref<102400x16xf32, #tpu.memory_space<vmem_shared>> -> memref<102400x16xf32, #tpu.memory_space<vmem_shared>>
        tpu.wait_indirect_dma semaphore(%run_scoped3A : memref<!tpu.dma_semaphore, #tpu.memory_space<semaphore_mem>>) src(%dma_wait3A_202 : memref<80x16xf32, #tpu.memory_space<vmem>>) dst(%dma_wait3A_207 : memref<102400x16xf32, #tpu.memory_space<vmem_shared>>)
        tpu.yield
      }) : () -> ()
      "tpu.region"() ({
        %run_scoped3A = tpu.sem_alloc : memref<!tpu.dma_semaphore, #tpu.memory_space<semaphore_mem>>
        %dma_start3A_192 = arith.constant 640 : i32
        %dma_start3A_193 = arith.constant 0 : i32
        %dma_start3A_194 = tpu.memref_slice %arg8[%dma_start3A_192, %dma_start3A_193] : memref<800x16xf32, #tpu.memory_space<vmem>> -> memref<80x16xf32, #tpu.memory_space<vmem>>
        %dma_start3A_195 = arith.constant 640 : i32
        %dma_start3A_196 = tpu.memref_slice %arg7[%dma_start3A_195] : memref<800xi32, #tpu.memory_space<vmem>> -> memref<80xi32, #tpu.memory_space<vmem>>
        %dma_start3A_197 = arith.constant 0 : i32
        %dma_start3A_198 = arith.constant 0 : i32
        %dma_start3A_199 = tpu.memref_slice %arg10[%dma_start3A_197, %dma_start3A_198] : memref<102400x16xf32, #tpu.memory_space<vmem_shared>> -> memref<102400x16xf32, #tpu.memory_space<vmem_shared>>
        tpu.enqueue_indirect_dma source(%dma_start3A_194 : memref<80x16xf32, #tpu.memory_space<vmem>>) target(%dma_start3A_199 : memref<102400x16xf32, #tpu.memory_space<vmem_shared>>) offsets(%dma_start3A_196 : memref<80xi32, #tpu.memory_space<vmem>>) semaphore(%run_scoped3A : memref<!tpu.dma_semaphore, #tpu.memory_space<semaphore_mem>>) {add = true}
        %dma_wait3A_200 = arith.constant 640 : i32
        %dma_wait3A_201 = arith.constant 0 : i32
        %dma_wait3A_202 = tpu.memref_slice %arg8[%dma_wait3A_200, %dma_wait3A_201] : memref<800x16xf32, #tpu.memory_space<vmem>> -> memref<80x16xf32, #tpu.memory_space<vmem>>
        %dma_wait3A_203 = arith.constant 640 : i32
        %dma_wait3A_204 = tpu.memref_slice %arg7[%dma_wait3A_203] : memref<800xi32, #tpu.memory_space<vmem>> -> memref<80xi32, #tpu.memory_space<vmem>>
        %dma_wait3A_205 = arith.constant 0 : i32
        %dma_wait3A_206 = arith.constant 0 : i32
        %dma_wait3A_207 = tpu.memref_slice %arg10[%dma_wait3A_205, %dma_wait3A_206] : memref<102400x16xf32, #tpu.memory_space<vmem_shared>> -> memref<102400x16xf32, #tpu.memory_space<vmem_shared>>
        tpu.wait_indirect_dma semaphore(%run_scoped3A : memref<!tpu.dma_semaphore, #tpu.memory_space<semaphore_mem>>) src(%dma_wait3A_202 : memref<80x16xf32, #tpu.memory_space<vmem>>) dst(%dma_wait3A_207 : memref<102400x16xf32, #tpu.memory_space<vmem_shared>>)
        tpu.yield
      }) : () -> ()
      "tpu.region"() ({
        %run_scoped3A = tpu.sem_alloc : memref<!tpu.dma_semaphore, #tpu.memory_space<semaphore_mem>>
        %dma_start3A_192 = arith.constant 720 : i32
        %dma_start3A_193 = arith.constant 0 : i32
        %dma_start3A_194 = tpu.memref_slice %arg8[%dma_start3A_192, %dma_start3A_193] : memref<800x16xf32, #tpu.memory_space<vmem>> -> memref<80x16xf32, #tpu.memory_space<vmem>>
        %dma_start3A_195 = arith.constant 720 : i32
        %dma_start3A_196 = tpu.memref_slice %arg7[%dma_start3A_195] : memref<800xi32, #tpu.memory_space<vmem>> -> memref<80xi32, #tpu.memory_space<vmem>>
        %dma_start3A_197 = arith.constant 0 : i32
        %dma_start3A_198 = arith.constant 0 : i32
        %dma_start3A_199 = tpu.memref_slice %arg10[%dma_start3A_197, %dma_start3A_198] : memref<102400x16xf32, #tpu.memory_space<vmem_shared>> -> memref<102400x16xf32, #tpu.memory_space<vmem_shared>>
        tpu.enqueue_indirect_dma source(%dma_start3A_194 : memref<80x16xf32, #tpu.memory_space<vmem>>) target(%dma_start3A_199 : memref<102400x16xf32, #tpu.memory_space<vmem_shared>>) offsets(%dma_start3A_196 : memref<80xi32, #tpu.memory_space<vmem>>) semaphore(%run_scoped3A : memref<!tpu.dma_semaphore, #tpu.memory_space<semaphore_mem>>) {add = true}
        %dma_wait3A_200 = arith.constant 720 : i32
        %dma_wait3A_201 = arith.constant 0 : i32
        %dma_wait3A_202 = tpu.memref_slice %arg8[%dma_wait3A_200, %dma_wait3A_201] : memref<800x16xf32, #tpu.memory_space<vmem>> -> memref<80x16xf32, #tpu.memory_space<vmem>>
        %dma_wait3A_203 = arith.constant 720 : i32
        %dma_wait3A_204 = tpu.memref_slice %arg7[%dma_wait3A_203] : memref<800xi32, #tpu.memory_space<vmem>> -> memref<80xi32, #tpu.memory_space<vmem>>
        %dma_wait3A_205 = arith.constant 0 : i32
        %dma_wait3A_206 = arith.constant 0 : i32
        %dma_wait3A_207 = tpu.memref_slice %arg10[%dma_wait3A_205, %dma_wait3A_206] : memref<102400x16xf32, #tpu.memory_space<vmem_shared>> -> memref<102400x16xf32, #tpu.memory_space<vmem_shared>>
        tpu.wait_indirect_dma semaphore(%run_scoped3A : memref<!tpu.dma_semaphore, #tpu.memory_space<semaphore_mem>>) src(%dma_wait3A_202 : memref<80x16xf32, #tpu.memory_space<vmem>>) dst(%dma_wait3A_207 : memref<102400x16xf32, #tpu.memory_space<vmem_shared>>)
        tpu.yield
      }) : () -> ()
      %scan3A_191 = arith.constant 0 : i32
      scf.yield %scan3A_191 : i32
    }
    %scan3A_20 = arith.constant 250 : i32
    %barrier3A_21 = arith.constant 0 : index
    tpu.barrier barrier_id(%barrier3A_21)
    %mul3A_22 = arith.constant 6400 : i32
    %mul3A_23 = arith.muli %arg1, %mul3A_22 : i32
    %mul3A_24 = arith.constant 6400 : i32
    %mul3A_25 = arith.muli %arg1, %mul3A_24 : i32
    "tpu.region"() ({
      %run_scoped3A = tpu.sem_alloc : memref<!tpu.dma_semaphore, #tpu.memory_space<semaphore_mem>>
      %dma_start3A = arith.constant 0 : i32
      %dma_start3A_26 = tpu.memref_slice %arg5[%arg0, %mul3A_25, %dma_start3A] : memref<2x102400x16xf32, #tpu.memory_space<hbm>> -> memref<1x6400x16xf32, #tpu.memory_space<hbm>>
      %dma_start3A_27 = tpu.memref_squeeze %dma_start3A_26 : memref<1x6400x16xf32, #tpu.memory_space<hbm>> -> memref<6400x16xf32, #tpu.memory_space<hbm>>
      %dma_start3A_28 = arith.constant 0 : i32
      %dma_start3A_29 = tpu.memref_slice %arg10[%mul3A_23, %dma_start3A_28] : memref<102400x16xf32, #tpu.memory_space<vmem_shared>> -> memref<6400x16xf32, #tpu.memory_space<vmem_shared>>
      tpu.enqueue_dma source(%dma_start3A_29 : memref<6400x16xf32, #tpu.memory_space<vmem_shared>>) target(%dma_start3A_27 : memref<6400x16xf32, #tpu.memory_space<hbm>>) target_semaphore(%run_scoped3A : memref<!tpu.dma_semaphore, #tpu.memory_space<semaphore_mem>>)
      %dma_wait3A = arith.constant 0 : i32
      %dma_wait3A_30 = tpu.memref_slice %arg5[%arg0, %mul3A_25, %dma_wait3A] : memref<2x102400x16xf32, #tpu.memory_space<hbm>> -> memref<1x6400x16xf32, #tpu.memory_space<hbm>>
      %dma_wait3A_31 = tpu.memref_squeeze %dma_wait3A_30 : memref<1x6400x16xf32, #tpu.memory_space<hbm>> -> memref<6400x16xf32, #tpu.memory_space<hbm>>
      %dma_wait3A_32 = arith.constant 0 : i32
      %dma_wait3A_33 = tpu.memref_slice %arg10[%mul3A_23, %dma_wait3A_32] : memref<102400x16xf32, #tpu.memory_space<vmem_shared>> -> memref<6400x16xf32, #tpu.memory_space<vmem_shared>>
      tpu.wait_dma2 semaphore(%run_scoped3A : memref<!tpu.dma_semaphore, #tpu.memory_space<semaphore_mem>>) src(%dma_wait3A_33 : memref<6400x16xf32, #tpu.memory_space<vmem_shared>>) dst(%dma_wait3A_31 : memref<6400x16xf32, #tpu.memory_space<hbm>>)
      tpu.yield
    }) : () -> ()
    return
  }
}

#map = affine_map<(d0, d1) -> (0)>
#map1 = affine_map<(d0, d1) -> (0, 0)>
#map2 = affine_map<(d0, d1) -> (0, 0, 0)>
module attributes {stable_mosaic.version = 14 : i64} {
  func.func @agg(%arg0: i32, %arg1: i32, %arg2: memref<6400000xi32, #tpu.memory_space<hbm>>, %arg3: memref<6400000xi32, #tpu.memory_space<hbm>>, %arg4: memref<102400x16xf32, #tpu.memory_space<hbm>>, %arg5: memref<2x102400x16xf32, #tpu.memory_space<hbm>>, %arg6: memref<800xi32, #tpu.memory_space<vmem>>, %arg7: memref<800xi32, #tpu.memory_space<vmem>>, %arg8: memref<800x16xf32, #tpu.memory_space<vmem>>, %arg9: memref<640x16xf32, #tpu.memory_space<vmem>>, %arg10: memref<102400x16xf32, #tpu.memory_space<vmem_shared>>, %arg11: memref<!tpu.dma_semaphore, #tpu.memory_space<semaphore_mem>>) attributes {dimension_semantics = [#tpu.dimension_semantics<core_parallel>, #tpu.dimension_semantics<subcore_parallel>], iteration_bounds = array<i64: 2, 16>, scalar_prefetch = 0 : i64, scratch_operands = 6 : i64, tpu.core_type = #tpu.core_type<sc_vector_subcore>, window_params = [{transform_indices = #map}, {transform_indices = #map}, {transform_indices = #map1}, {transform_indices = #map2}]} {
    %mul3A = arith.constant 2 : i32
    %mul3A_0 = arith.muli %arg1, %mul3A : i32
    %add3A = arith.addi %mul3A_0, %arg0 : i32
    %scan3A = arith.constant 0 : i32
    %scan3A_1 = arith.constant 0 : i32
    %scan3A_2 = arith.constant 640 : i32
    %scan3A_3 = arith.addi %scan3A_1, %scan3A_2 : i32
    %scan3A_4 = arith.constant 1 : i32
    %scan3A_5 = scf.for %scan3A_26 = %scan3A_1 to %scan3A_3 step %scan3A_4 iter_args(%scan3A_27 = %scan3A) -> (i32)  : i32 {
      %broadcast_in_dim3A = arith.constant 0.000000e+00 : f32
      %broadcast_in_dim3A_28 = vector.broadcast %broadcast_in_dim3A : f32 to vector<16xf32>
      %swap3A = arith.index_cast %scan3A_26 : i32 to index
      %swap3A_29 = arith.constant 0 : index
      %swap3A_30 = tpu.vector_load %arg9[%swap3A, %swap3A_29] {strides = array<i32>} : memref<640x16xf32, #tpu.memory_space<vmem>>, vector<1x16xf32>,
      %swap3A_31 = vector.shape_cast %swap3A_30 : vector<1x16xf32> to vector<16xf32>
      %swap3A_32 = vector.shape_cast %broadcast_in_dim3A_28 : vector<16xf32> to vector<1x16xf32>
      tpu.vector_store %arg9[%swap3A, %swap3A_29], %swap3A_32 {strides = array<i32>} : memref<640x16xf32, #tpu.memory_space<vmem>>, vector<1x16xf32>,
      %scan3A_33 = arith.constant 0 : i32
      scf.yield %scan3A_33 : i32
    }
    %scan3A_6 = arith.constant 640 : i32
    %scan3A_7 = arith.constant 0 : i32
    %scan3A_8 = arith.constant 0 : i32
    %scan3A_9 = arith.constant 10 : i32
    %scan3A_10 = arith.addi %scan3A_8, %scan3A_9 : i32
    %scan3A_11 = arith.constant 1 : i32
    %scan3A_12 = scf.for %scan3A_26 = %scan3A_8 to %scan3A_10 step %scan3A_11 iter_args(%scan3A_27 = %scan3A_7) -> (i32)  : i32 {
      %mul3A_28 = arith.constant 6400 : i32
      %mul3A_29 = arith.muli %arg1, %mul3A_28 : i32
      %mul3A_30 = arith.constant 640 : i32
      %mul3A_31 = arith.muli %scan3A_26, %mul3A_30 : i32
      %add3A_32 = arith.addi %mul3A_29, %mul3A_31 : i32
      "tpu.region"() ({
        %run_scoped3A = tpu.sem_alloc : memref<!tpu.dma_semaphore, #tpu.memory_space<semaphore_mem>>
        %dma_start3A = arith.constant 0 : i32
        %dma_start3A_34 = tpu.memref_slice %arg10[%add3A_32, %dma_start3A] : memref<102400x16xf32, #tpu.memory_space<vmem_shared>> -> memref<640x16xf32, #tpu.memory_space<vmem_shared>>
        %dma_start3A_35 = arith.constant 0 : i32
        %dma_start3A_36 = tpu.memref_slice %arg10[%add3A_32, %dma_start3A_35] : memref<102400x16xf32, #tpu.memory_space<vmem_shared>> -> memref<640x16xf32, #tpu.memory_space<vmem_shared>>
        tpu.enqueue_dma source(%arg9 : memref<640x16xf32, #tpu.memory_space<vmem>>) target(%dma_start3A_36 : memref<640x16xf32, #tpu.memory_space<vmem_shared>>) target_semaphore(%run_scoped3A : memref<!tpu.dma_semaphore, #tpu.memory_space<semaphore_mem>>)
        %dma_wait3A = arith.constant 0 : i32
        %dma_wait3A_37 = tpu.memref_slice %arg10[%add3A_32, %dma_wait3A] : memref<102400x16xf32, #tpu.memory_space<vmem_shared>> -> memref<640x16xf32, #tpu.memory_space<vmem_shared>>
        %dma_wait3A_38 = arith.constant 0 : i32
        %dma_wait3A_39 = tpu.memref_slice %arg10[%add3A_32, %dma_wait3A_38] : memref<102400x16xf32, #tpu.memory_space<vmem_shared>> -> memref<640x16xf32, #tpu.memory_space<vmem_shared>>
        tpu.wait_dma2 semaphore(%run_scoped3A : memref<!tpu.dma_semaphore, #tpu.memory_space<semaphore_mem>>) src(%arg9 : memref<640x16xf32, #tpu.memory_space<vmem>>) dst(%dma_wait3A_39 : memref<640x16xf32, #tpu.memory_space<vmem_shared>>)
        tpu.yield
      }) : () -> ()
      %scan3A_33 = arith.constant 0 : i32
      scf.yield %scan3A_33 : i32
    }
    %scan3A_13 = arith.constant 10 : i32
    %barrier3A = arith.constant 0 : index
    tpu.barrier barrier_id(%barrier3A)
    %scan3A_14 = arith.constant 0 : i32
    %scan3A_15 = arith.constant 0 : i32
    %scan3A_16 = arith.constant 250 : i32
    %scan3A_17 = arith.addi %scan3A_15, %scan3A_16 : i32
    %scan3A_18 = arith.constant 1 : i32
    %scan3A_19 = scf.for %scan3A_26 = %scan3A_15 to %scan3A_17 step %scan3A_18 iter_args(%scan3A_27 = %scan3A_14) -> (i32)  : i32 {
      %mul3A_28 = arith.constant 200000 : i32
      %mul3A_29 = arith.muli %add3A, %mul3A_28 : i32
      %mul3A_30 = arith.constant 800 : i32
      %mul3A_31 = arith.muli %scan3A_26, %mul3A_30 : i32
      %add3A_32 = arith.addi %mul3A_29, %mul3A_31 : i32
      "tpu.region"() ({
        %run_scoped3A = tpu.sem_alloc : memref<!tpu.dma_semaphore, #tpu.memory_space<semaphore_mem>>
        %dma_start3A_192 = tpu.memref_slice %arg2[%add3A_32] : memref<6400000xi32, #tpu.memory_space<hbm>> -> memref<800xi32, #tpu.memory_space<hbm>>
        %dma_start3A_193 = tpu.memref_slice %arg2[%add3A_32] : memref<6400000xi32, #tpu.memory_space<hbm>> -> memref<800xi32, #tpu.memory_space<hbm>>
        tpu.enqueue_dma source(%dma_start3A_193 : memref<800xi32, #tpu.memory_space<hbm>>) target(%arg6 : memref<800xi32, #tpu.memory_space<vmem>>) target_semaphore(%run_scoped3A : memref<!tpu.dma_semaphore, #tpu.memory_space<semaphore_mem>>)
        %dma_wait3A_194 = tpu.memref_slice %arg2[%add3A_32] : memref<6400000xi32, #tpu.memory_space<hbm>> -> memref<800xi32, #tpu.memory_space<hbm>>
        %dma_wait3A_195 = tpu.memref_slice %arg2[%add3A_32] : memref<6400000xi32, #tpu.memory_space<hbm>> -> memref<800xi32, #tpu.memory_space<hbm>>
        tpu.wait_dma2 semaphore(%run_scoped3A : memref<!tpu.dma_semaphore, #tpu.memory_space<semaphore_mem>>) src(%dma_wait3A_195 : memref<800xi32, #tpu.memory_space<hbm>>) dst(%arg6 : memref<800xi32, #tpu.memory_space<vmem>>)
        tpu.yield
      }) : () -> ()
      "tpu.region"() ({
        %run_scoped3A = tpu.sem_alloc : memref<!tpu.dma_semaphore, #tpu.memory_space<semaphore_mem>>
        %dma_start3A_192 = tpu.memref_slice %arg3[%add3A_32] : memref<6400000xi32, #tpu.memory_space<hbm>> -> memref<800xi32, #tpu.memory_space<hbm>>
        %dma_start3A_193 = tpu.memref_slice %arg3[%add3A_32] : memref<6400000xi32, #tpu.memory_space<hbm>> -> memref<800xi32, #tpu.memory_space<hbm>>
        tpu.enqueue_dma source(%dma_start3A_193 : memref<800xi32, #tpu.memory_space<hbm>>) target(%arg7 : memref<800xi32, #tpu.memory_space<vmem>>) target_semaphore(%run_scoped3A : memref<!tpu.dma_semaphore, #tpu.memory_space<semaphore_mem>>)
        %dma_wait3A_194 = tpu.memref_slice %arg3[%add3A_32] : memref<6400000xi32, #tpu.memory_space<hbm>> -> memref<800xi32, #tpu.memory_space<hbm>>
        %dma_wait3A_195 = tpu.memref_slice %arg3[%add3A_32] : memref<6400000xi32, #tpu.memory_space<hbm>> -> memref<800xi32, #tpu.memory_space<hbm>>
        tpu.wait_dma2 semaphore(%run_scoped3A : memref<!tpu.dma_semaphore, #tpu.memory_space<semaphore_mem>>) src(%dma_wait3A_195 : memref<800xi32, #tpu.memory_space<hbm>>) dst(%arg7 : memref<800xi32, #tpu.memory_space<vmem>>)
        tpu.yield
      }) : () -> ()
      %dma_start3A = arith.constant 0 : i32
      %dma_start3A_33 = arith.constant 0 : i32
      %dma_start3A_34 = tpu.memref_slice %arg8[%dma_start3A, %dma_start3A_33] : memref<800x16xf32, #tpu.memory_space<vmem>> -> memref<80x16xf32, #tpu.memory_space<vmem>>
      %dma_start3A_35 = arith.constant 0 : i32
      %dma_start3A_36 = tpu.memref_slice %arg6[%dma_start3A_35] : memref<800xi32, #tpu.memory_space<vmem>> -> memref<80xi32, #tpu.memory_space<vmem>>
      %dma_start3A_37 = arith.constant 0 : i32
      %dma_start3A_38 = arith.constant 0 : i32
      %dma_start3A_39 = tpu.memref_slice %arg4[%dma_start3A_37, %dma_start3A_38] : memref<102400x16xf32, #tpu.memory_space<hbm>> -> memref<102400x16xf32, #tpu.memory_space<hbm>>
      tpu.enqueue_indirect_dma source(%dma_start3A_39 : memref<102400x16xf32, #tpu.memory_space<hbm>>) target(%dma_start3A_34 : memref<80x16xf32, #tpu.memory_space<vmem>>) offsets(%dma_start3A_36 : memref<80xi32, #tpu.memory_space<vmem>>) semaphore(%arg11 : memref<!tpu.dma_semaphore, #tpu.memory_space<semaphore_mem>>)
      %dma_start3A_40 = arith.constant 80 : i32
      %dma_start3A_41 = arith.constant 0 : i32
      %dma_start3A_42 = tpu.memref_slice %arg8[%dma_start3A_40, %dma_start3A_41] : memref<800x16xf32, #tpu.memory_space<vmem>> -> memref<80x16xf32, #tpu.memory_space<vmem>>
      %dma_start3A_43 = arith.constant 80 : i32
      %dma_start3A_44 = tpu.memref_slice %arg6[%dma_start3A_43] : memref<800xi32, #tpu.memory_space<vmem>> -> memref<80xi32, #tpu.memory_space<vmem>>
      %dma_start3A_45 = arith.constant 0 : i32
      %dma_start3A_46 = arith.constant 0 : i32
      %dma_start3A_47 = tpu.memref_slice %arg4[%dma_start3A_45, %dma_start3A_46] : memref<102400x16xf32, #tpu.memory_space<hbm>> -> memref<102400x16xf32, #tpu.memory_space<hbm>>
      tpu.enqueue_indirect_dma source(%dma_start3A_47 : memref<102400x16xf32, #tpu.memory_space<hbm>>) target(%dma_start3A_42 : memref<80x16xf32, #tpu.memory_space<vmem>>) offsets(%dma_start3A_44 : memref<80xi32, #tpu.memory_space<vmem>>) semaphore(%arg11 : memref<!tpu.dma_semaphore, #tpu.memory_space<semaphore_mem>>)
      %dma_start3A_48 = arith.constant 160 : i32
      %dma_start3A_49 = arith.constant 0 : i32
      %dma_start3A_50 = tpu.memref_slice %arg8[%dma_start3A_48, %dma_start3A_49] : memref<800x16xf32, #tpu.memory_space<vmem>> -> memref<80x16xf32, #tpu.memory_space<vmem>>
      %dma_start3A_51 = arith.constant 160 : i32
      %dma_start3A_52 = tpu.memref_slice %arg6[%dma_start3A_51] : memref<800xi32, #tpu.memory_space<vmem>> -> memref<80xi32, #tpu.memory_space<vmem>>
      %dma_start3A_53 = arith.constant 0 : i32
      %dma_start3A_54 = arith.constant 0 : i32
      %dma_start3A_55 = tpu.memref_slice %arg4[%dma_start3A_53, %dma_start3A_54] : memref<102400x16xf32, #tpu.memory_space<hbm>> -> memref<102400x16xf32, #tpu.memory_space<hbm>>
      tpu.enqueue_indirect_dma source(%dma_start3A_55 : memref<102400x16xf32, #tpu.memory_space<hbm>>) target(%dma_start3A_50 : memref<80x16xf32, #tpu.memory_space<vmem>>) offsets(%dma_start3A_52 : memref<80xi32, #tpu.memory_space<vmem>>) semaphore(%arg11 : memref<!tpu.dma_semaphore, #tpu.memory_space<semaphore_mem>>)
      %dma_start3A_56 = arith.constant 240 : i32
      %dma_start3A_57 = arith.constant 0 : i32
      %dma_start3A_58 = tpu.memref_slice %arg8[%dma_start3A_56, %dma_start3A_57] : memref<800x16xf32, #tpu.memory_space<vmem>> -> memref<80x16xf32, #tpu.memory_space<vmem>>
      %dma_start3A_59 = arith.constant 240 : i32
      %dma_start3A_60 = tpu.memref_slice %arg6[%dma_start3A_59] : memref<800xi32, #tpu.memory_space<vmem>> -> memref<80xi32, #tpu.memory_space<vmem>>
      %dma_start3A_61 = arith.constant 0 : i32
      %dma_start3A_62 = arith.constant 0 : i32
      %dma_start3A_63 = tpu.memref_slice %arg4[%dma_start3A_61, %dma_start3A_62] : memref<102400x16xf32, #tpu.memory_space<hbm>> -> memref<102400x16xf32, #tpu.memory_space<hbm>>
      tpu.enqueue_indirect_dma source(%dma_start3A_63 : memref<102400x16xf32, #tpu.memory_space<hbm>>) target(%dma_start3A_58 : memref<80x16xf32, #tpu.memory_space<vmem>>) offsets(%dma_start3A_60 : memref<80xi32, #tpu.memory_space<vmem>>) semaphore(%arg11 : memref<!tpu.dma_semaphore, #tpu.memory_space<semaphore_mem>>)
      %dma_start3A_64 = arith.constant 320 : i32
      %dma_start3A_65 = arith.constant 0 : i32
      %dma_start3A_66 = tpu.memref_slice %arg8[%dma_start3A_64, %dma_start3A_65] : memref<800x16xf32, #tpu.memory_space<vmem>> -> memref<80x16xf32, #tpu.memory_space<vmem>>
      %dma_start3A_67 = arith.constant 320 : i32
      %dma_start3A_68 = tpu.memref_slice %arg6[%dma_start3A_67] : memref<800xi32, #tpu.memory_space<vmem>> -> memref<80xi32, #tpu.memory_space<vmem>>
      %dma_start3A_69 = arith.constant 0 : i32
      %dma_start3A_70 = arith.constant 0 : i32
      %dma_start3A_71 = tpu.memref_slice %arg4[%dma_start3A_69, %dma_start3A_70] : memref<102400x16xf32, #tpu.memory_space<hbm>> -> memref<102400x16xf32, #tpu.memory_space<hbm>>
      tpu.enqueue_indirect_dma source(%dma_start3A_71 : memref<102400x16xf32, #tpu.memory_space<hbm>>) target(%dma_start3A_66 : memref<80x16xf32, #tpu.memory_space<vmem>>) offsets(%dma_start3A_68 : memref<80xi32, #tpu.memory_space<vmem>>) semaphore(%arg11 : memref<!tpu.dma_semaphore, #tpu.memory_space<semaphore_mem>>)
      %dma_start3A_72 = arith.constant 400 : i32
      %dma_start3A_73 = arith.constant 0 : i32
      %dma_start3A_74 = tpu.memref_slice %arg8[%dma_start3A_72, %dma_start3A_73] : memref<800x16xf32, #tpu.memory_space<vmem>> -> memref<80x16xf32, #tpu.memory_space<vmem>>
      %dma_start3A_75 = arith.constant 400 : i32
      %dma_start3A_76 = tpu.memref_slice %arg6[%dma_start3A_75] : memref<800xi32, #tpu.memory_space<vmem>> -> memref<80xi32, #tpu.memory_space<vmem>>
      %dma_start3A_77 = arith.constant 0 : i32
      %dma_start3A_78 = arith.constant 0 : i32
      %dma_start3A_79 = tpu.memref_slice %arg4[%dma_start3A_77, %dma_start3A_78] : memref<102400x16xf32, #tpu.memory_space<hbm>> -> memref<102400x16xf32, #tpu.memory_space<hbm>>
      tpu.enqueue_indirect_dma source(%dma_start3A_79 : memref<102400x16xf32, #tpu.memory_space<hbm>>) target(%dma_start3A_74 : memref<80x16xf32, #tpu.memory_space<vmem>>) offsets(%dma_start3A_76 : memref<80xi32, #tpu.memory_space<vmem>>) semaphore(%arg11 : memref<!tpu.dma_semaphore, #tpu.memory_space<semaphore_mem>>)
      %dma_start3A_80 = arith.constant 480 : i32
      %dma_start3A_81 = arith.constant 0 : i32
      %dma_start3A_82 = tpu.memref_slice %arg8[%dma_start3A_80, %dma_start3A_81] : memref<800x16xf32, #tpu.memory_space<vmem>> -> memref<80x16xf32, #tpu.memory_space<vmem>>
      %dma_start3A_83 = arith.constant 480 : i32
      %dma_start3A_84 = tpu.memref_slice %arg6[%dma_start3A_83] : memref<800xi32, #tpu.memory_space<vmem>> -> memref<80xi32, #tpu.memory_space<vmem>>
      %dma_start3A_85 = arith.constant 0 : i32
      %dma_start3A_86 = arith.constant 0 : i32
      %dma_start3A_87 = tpu.memref_slice %arg4[%dma_start3A_85, %dma_start3A_86] : memref<102400x16xf32, #tpu.memory_space<hbm>> -> memref<102400x16xf32, #tpu.memory_space<hbm>>
      tpu.enqueue_indirect_dma source(%dma_start3A_87 : memref<102400x16xf32, #tpu.memory_space<hbm>>) target(%dma_start3A_82 : memref<80x16xf32, #tpu.memory_space<vmem>>) offsets(%dma_start3A_84 : memref<80xi32, #tpu.memory_space<vmem>>) semaphore(%arg11 : memref<!tpu.dma_semaphore, #tpu.memory_space<semaphore_mem>>)
      %dma_start3A_88 = arith.constant 560 : i32
      %dma_start3A_89 = arith.constant 0 : i32
      %dma_start3A_90 = tpu.memref_slice %arg8[%dma_start3A_88, %dma_start3A_89] : memref<800x16xf32, #tpu.memory_space<vmem>> -> memref<80x16xf32, #tpu.memory_space<vmem>>
      %dma_start3A_91 = arith.constant 560 : i32
      %dma_start3A_92 = tpu.memref_slice %arg6[%dma_start3A_91] : memref<800xi32, #tpu.memory_space<vmem>> -> memref<80xi32, #tpu.memory_space<vmem>>
      %dma_start3A_93 = arith.constant 0 : i32
      %dma_start3A_94 = arith.constant 0 : i32
      %dma_start3A_95 = tpu.memref_slice %arg4[%dma_start3A_93, %dma_start3A_94] : memref<102400x16xf32, #tpu.memory_space<hbm>> -> memref<102400x16xf32, #tpu.memory_space<hbm>>
      tpu.enqueue_indirect_dma source(%dma_start3A_95 : memref<102400x16xf32, #tpu.memory_space<hbm>>) target(%dma_start3A_90 : memref<80x16xf32, #tpu.memory_space<vmem>>) offsets(%dma_start3A_92 : memref<80xi32, #tpu.memory_space<vmem>>) semaphore(%arg11 : memref<!tpu.dma_semaphore, #tpu.memory_space<semaphore_mem>>)
      %dma_start3A_96 = arith.constant 640 : i32
      %dma_start3A_97 = arith.constant 0 : i32
      %dma_start3A_98 = tpu.memref_slice %arg8[%dma_start3A_96, %dma_start3A_97] : memref<800x16xf32, #tpu.memory_space<vmem>> -> memref<80x16xf32, #tpu.memory_space<vmem>>
      %dma_start3A_99 = arith.constant 640 : i32
      %dma_start3A_100 = tpu.memref_slice %arg6[%dma_start3A_99] : memref<800xi32, #tpu.memory_space<vmem>> -> memref<80xi32, #tpu.memory_space<vmem>>
      %dma_start3A_101 = arith.constant 0 : i32
      %dma_start3A_102 = arith.constant 0 : i32
      %dma_start3A_103 = tpu.memref_slice %arg4[%dma_start3A_101, %dma_start3A_102] : memref<102400x16xf32, #tpu.memory_space<hbm>> -> memref<102400x16xf32, #tpu.memory_space<hbm>>
      tpu.enqueue_indirect_dma source(%dma_start3A_103 : memref<102400x16xf32, #tpu.memory_space<hbm>>) target(%dma_start3A_98 : memref<80x16xf32, #tpu.memory_space<vmem>>) offsets(%dma_start3A_100 : memref<80xi32, #tpu.memory_space<vmem>>) semaphore(%arg11 : memref<!tpu.dma_semaphore, #tpu.memory_space<semaphore_mem>>)
      %dma_start3A_104 = arith.constant 720 : i32
      %dma_start3A_105 = arith.constant 0 : i32
      %dma_start3A_106 = tpu.memref_slice %arg8[%dma_start3A_104, %dma_start3A_105] : memref<800x16xf32, #tpu.memory_space<vmem>> -> memref<80x16xf32, #tpu.memory_space<vmem>>
      %dma_start3A_107 = arith.constant 720 : i32
      %dma_start3A_108 = tpu.memref_slice %arg6[%dma_start3A_107] : memref<800xi32, #tpu.memory_space<vmem>> -> memref<80xi32, #tpu.memory_space<vmem>>
      %dma_start3A_109 = arith.constant 0 : i32
      %dma_start3A_110 = arith.constant 0 : i32
      %dma_start3A_111 = tpu.memref_slice %arg4[%dma_start3A_109, %dma_start3A_110] : memref<102400x16xf32, #tpu.memory_space<hbm>> -> memref<102400x16xf32, #tpu.memory_space<hbm>>
      tpu.enqueue_indirect_dma source(%dma_start3A_111 : memref<102400x16xf32, #tpu.memory_space<hbm>>) target(%dma_start3A_106 : memref<80x16xf32, #tpu.memory_space<vmem>>) offsets(%dma_start3A_108 : memref<80xi32, #tpu.memory_space<vmem>>) semaphore(%arg11 : memref<!tpu.dma_semaphore, #tpu.memory_space<semaphore_mem>>)
      %dma_wait3A = arith.constant 0 : i32
      %dma_wait3A_112 = arith.constant 0 : i32
      %dma_wait3A_113 = tpu.memref_slice %arg8[%dma_wait3A, %dma_wait3A_112] : memref<800x16xf32, #tpu.memory_space<vmem>> -> memref<80x16xf32, #tpu.memory_space<vmem>>
      %dma_wait3A_114 = arith.constant 0 : i32
      %dma_wait3A_115 = tpu.memref_slice %arg6[%dma_wait3A_114] : memref<800xi32, #tpu.memory_space<vmem>> -> memref<80xi32, #tpu.memory_space<vmem>>
      %dma_wait3A_116 = arith.constant 0 : i32
      %dma_wait3A_117 = arith.constant 0 : i32
      %dma_wait3A_118 = tpu.memref_slice %arg4[%dma_wait3A_116, %dma_wait3A_117] : memref<102400x16xf32, #tpu.memory_space<hbm>> -> memref<102400x16xf32, #tpu.memory_space<hbm>>
      tpu.wait_indirect_dma semaphore(%arg11 : memref<!tpu.dma_semaphore, #tpu.memory_space<semaphore_mem>>) src(%dma_wait3A_118 : memref<102400x16xf32, #tpu.memory_space<hbm>>) dst(%dma_wait3A_113 : memref<80x16xf32, #tpu.memory_space<vmem>>)
      %dma_wait3A_119 = arith.constant 80 : i32
      %dma_wait3A_120 = arith.constant 0 : i32
      %dma_wait3A_121 = tpu.memref_slice %arg8[%dma_wait3A_119, %dma_wait3A_120] : memref<800x16xf32, #tpu.memory_space<vmem>> -> memref<80x16xf32, #tpu.memory_space<vmem>>
      %dma_wait3A_122 = arith.constant 80 : i32
      %dma_wait3A_123 = tpu.memref_slice %arg6[%dma_wait3A_122] : memref<800xi32, #tpu.memory_space<vmem>> -> memref<80xi32, #tpu.memory_space<vmem>>
      %dma_wait3A_124 = arith.constant 0 : i32
      %dma_wait3A_125 = arith.constant 0 : i32
      %dma_wait3A_126 = tpu.memref_slice %arg4[%dma_wait3A_124, %dma_wait3A_125] : memref<102400x16xf32, #tpu.memory_space<hbm>> -> memref<102400x16xf32, #tpu.memory_space<hbm>>
      tpu.wait_indirect_dma semaphore(%arg11 : memref<!tpu.dma_semaphore, #tpu.memory_space<semaphore_mem>>) src(%dma_wait3A_126 : memref<102400x16xf32, #tpu.memory_space<hbm>>) dst(%dma_wait3A_121 : memref<80x16xf32, #tpu.memory_space<vmem>>)
      %dma_wait3A_127 = arith.constant 160 : i32
      %dma_wait3A_128 = arith.constant 0 : i32
      %dma_wait3A_129 = tpu.memref_slice %arg8[%dma_wait3A_127, %dma_wait3A_128] : memref<800x16xf32, #tpu.memory_space<vmem>> -> memref<80x16xf32, #tpu.memory_space<vmem>>
      %dma_wait3A_130 = arith.constant 160 : i32
      %dma_wait3A_131 = tpu.memref_slice %arg6[%dma_wait3A_130] : memref<800xi32, #tpu.memory_space<vmem>> -> memref<80xi32, #tpu.memory_space<vmem>>
      %dma_wait3A_132 = arith.constant 0 : i32
      %dma_wait3A_133 = arith.constant 0 : i32
      %dma_wait3A_134 = tpu.memref_slice %arg4[%dma_wait3A_132, %dma_wait3A_133] : memref<102400x16xf32, #tpu.memory_space<hbm>> -> memref<102400x16xf32, #tpu.memory_space<hbm>>
      tpu.wait_indirect_dma semaphore(%arg11 : memref<!tpu.dma_semaphore, #tpu.memory_space<semaphore_mem>>) src(%dma_wait3A_134 : memref<102400x16xf32, #tpu.memory_space<hbm>>) dst(%dma_wait3A_129 : memref<80x16xf32, #tpu.memory_space<vmem>>)
      %dma_wait3A_135 = arith.constant 240 : i32
      %dma_wait3A_136 = arith.constant 0 : i32
      %dma_wait3A_137 = tpu.memref_slice %arg8[%dma_wait3A_135, %dma_wait3A_136] : memref<800x16xf32, #tpu.memory_space<vmem>> -> memref<80x16xf32, #tpu.memory_space<vmem>>
      %dma_wait3A_138 = arith.constant 240 : i32
      %dma_wait3A_139 = tpu.memref_slice %arg6[%dma_wait3A_138] : memref<800xi32, #tpu.memory_space<vmem>> -> memref<80xi32, #tpu.memory_space<vmem>>
      %dma_wait3A_140 = arith.constant 0 : i32
      %dma_wait3A_141 = arith.constant 0 : i32
      %dma_wait3A_142 = tpu.memref_slice %arg4[%dma_wait3A_140, %dma_wait3A_141] : memref<102400x16xf32, #tpu.memory_space<hbm>> -> memref<102400x16xf32, #tpu.memory_space<hbm>>
      tpu.wait_indirect_dma semaphore(%arg11 : memref<!tpu.dma_semaphore, #tpu.memory_space<semaphore_mem>>) src(%dma_wait3A_142 : memref<102400x16xf32, #tpu.memory_space<hbm>>) dst(%dma_wait3A_137 : memref<80x16xf32, #tpu.memory_space<vmem>>)
      %dma_wait3A_143 = arith.constant 320 : i32
      %dma_wait3A_144 = arith.constant 0 : i32
      %dma_wait3A_145 = tpu.memref_slice %arg8[%dma_wait3A_143, %dma_wait3A_144] : memref<800x16xf32, #tpu.memory_space<vmem>> -> memref<80x16xf32, #tpu.memory_space<vmem>>
      %dma_wait3A_146 = arith.constant 320 : i32
      %dma_wait3A_147 = tpu.memref_slice %arg6[%dma_wait3A_146] : memref<800xi32, #tpu.memory_space<vmem>> -> memref<80xi32, #tpu.memory_space<vmem>>
      %dma_wait3A_148 = arith.constant 0 : i32
      %dma_wait3A_149 = arith.constant 0 : i32
      %dma_wait3A_150 = tpu.memref_slice %arg4[%dma_wait3A_148, %dma_wait3A_149] : memref<102400x16xf32, #tpu.memory_space<hbm>> -> memref<102400x16xf32, #tpu.memory_space<hbm>>
      tpu.wait_indirect_dma semaphore(%arg11 : memref<!tpu.dma_semaphore, #tpu.memory_space<semaphore_mem>>) src(%dma_wait3A_150 : memref<102400x16xf32, #tpu.memory_space<hbm>>) dst(%dma_wait3A_145 : memref<80x16xf32, #tpu.memory_space<vmem>>)
      %dma_wait3A_151 = arith.constant 400 : i32
      %dma_wait3A_152 = arith.constant 0 : i32
      %dma_wait3A_153 = tpu.memref_slice %arg8[%dma_wait3A_151, %dma_wait3A_152] : memref<800x16xf32, #tpu.memory_space<vmem>> -> memref<80x16xf32, #tpu.memory_space<vmem>>
      %dma_wait3A_154 = arith.constant 400 : i32
      %dma_wait3A_155 = tpu.memref_slice %arg6[%dma_wait3A_154] : memref<800xi32, #tpu.memory_space<vmem>> -> memref<80xi32, #tpu.memory_space<vmem>>
      %dma_wait3A_156 = arith.constant 0 : i32
      %dma_wait3A_157 = arith.constant 0 : i32
      %dma_wait3A_158 = tpu.memref_slice %arg4[%dma_wait3A_156, %dma_wait3A_157] : memref<102400x16xf32, #tpu.memory_space<hbm>> -> memref<102400x16xf32, #tpu.memory_space<hbm>>
      tpu.wait_indirect_dma semaphore(%arg11 : memref<!tpu.dma_semaphore, #tpu.memory_space<semaphore_mem>>) src(%dma_wait3A_158 : memref<102400x16xf32, #tpu.memory_space<hbm>>) dst(%dma_wait3A_153 : memref<80x16xf32, #tpu.memory_space<vmem>>)
      %dma_wait3A_159 = arith.constant 480 : i32
      %dma_wait3A_160 = arith.constant 0 : i32
      %dma_wait3A_161 = tpu.memref_slice %arg8[%dma_wait3A_159, %dma_wait3A_160] : memref<800x16xf32, #tpu.memory_space<vmem>> -> memref<80x16xf32, #tpu.memory_space<vmem>>
      %dma_wait3A_162 = arith.constant 480 : i32
      %dma_wait3A_163 = tpu.memref_slice %arg6[%dma_wait3A_162] : memref<800xi32, #tpu.memory_space<vmem>> -> memref<80xi32, #tpu.memory_space<vmem>>
      %dma_wait3A_164 = arith.constant 0 : i32
      %dma_wait3A_165 = arith.constant 0 : i32
      %dma_wait3A_166 = tpu.memref_slice %arg4[%dma_wait3A_164, %dma_wait3A_165] : memref<102400x16xf32, #tpu.memory_space<hbm>> -> memref<102400x16xf32, #tpu.memory_space<hbm>>
      tpu.wait_indirect_dma semaphore(%arg11 : memref<!tpu.dma_semaphore, #tpu.memory_space<semaphore_mem>>) src(%dma_wait3A_166 : memref<102400x16xf32, #tpu.memory_space<hbm>>) dst(%dma_wait3A_161 : memref<80x16xf32, #tpu.memory_space<vmem>>)
      %dma_wait3A_167 = arith.constant 560 : i32
      %dma_wait3A_168 = arith.constant 0 : i32
      %dma_wait3A_169 = tpu.memref_slice %arg8[%dma_wait3A_167, %dma_wait3A_168] : memref<800x16xf32, #tpu.memory_space<vmem>> -> memref<80x16xf32, #tpu.memory_space<vmem>>
      %dma_wait3A_170 = arith.constant 560 : i32
      %dma_wait3A_171 = tpu.memref_slice %arg6[%dma_wait3A_170] : memref<800xi32, #tpu.memory_space<vmem>> -> memref<80xi32, #tpu.memory_space<vmem>>
      %dma_wait3A_172 = arith.constant 0 : i32
      %dma_wait3A_173 = arith.constant 0 : i32
      %dma_wait3A_174 = tpu.memref_slice %arg4[%dma_wait3A_172, %dma_wait3A_173] : memref<102400x16xf32, #tpu.memory_space<hbm>> -> memref<102400x16xf32, #tpu.memory_space<hbm>>
      tpu.wait_indirect_dma semaphore(%arg11 : memref<!tpu.dma_semaphore, #tpu.memory_space<semaphore_mem>>) src(%dma_wait3A_174 : memref<102400x16xf32, #tpu.memory_space<hbm>>) dst(%dma_wait3A_169 : memref<80x16xf32, #tpu.memory_space<vmem>>)
      %dma_wait3A_175 = arith.constant 640 : i32
      %dma_wait3A_176 = arith.constant 0 : i32
      %dma_wait3A_177 = tpu.memref_slice %arg8[%dma_wait3A_175, %dma_wait3A_176] : memref<800x16xf32, #tpu.memory_space<vmem>> -> memref<80x16xf32, #tpu.memory_space<vmem>>
      %dma_wait3A_178 = arith.constant 640 : i32
      %dma_wait3A_179 = tpu.memref_slice %arg6[%dma_wait3A_178] : memref<800xi32, #tpu.memory_space<vmem>> -> memref<80xi32, #tpu.memory_space<vmem>>
      %dma_wait3A_180 = arith.constant 0 : i32
      %dma_wait3A_181 = arith.constant 0 : i32
      %dma_wait3A_182 = tpu.memref_slice %arg4[%dma_wait3A_180, %dma_wait3A_181] : memref<102400x16xf32, #tpu.memory_space<hbm>> -> memref<102400x16xf32, #tpu.memory_space<hbm>>
      tpu.wait_indirect_dma semaphore(%arg11 : memref<!tpu.dma_semaphore, #tpu.memory_space<semaphore_mem>>) src(%dma_wait3A_182 : memref<102400x16xf32, #tpu.memory_space<hbm>>) dst(%dma_wait3A_177 : memref<80x16xf32, #tpu.memory_space<vmem>>)
      %dma_wait3A_183 = arith.constant 720 : i32
      %dma_wait3A_184 = arith.constant 0 : i32
      %dma_wait3A_185 = tpu.memref_slice %arg8[%dma_wait3A_183, %dma_wait3A_184] : memref<800x16xf32, #tpu.memory_space<vmem>> -> memref<80x16xf32, #tpu.memory_space<vmem>>
      %dma_wait3A_186 = arith.constant 720 : i32
      %dma_wait3A_187 = tpu.memref_slice %arg6[%dma_wait3A_186] : memref<800xi32, #tpu.memory_space<vmem>> -> memref<80xi32, #tpu.memory_space<vmem>>
      %dma_wait3A_188 = arith.constant 0 : i32
      %dma_wait3A_189 = arith.constant 0 : i32
      %dma_wait3A_190 = tpu.memref_slice %arg4[%dma_wait3A_188, %dma_wait3A_189] : memref<102400x16xf32, #tpu.memory_space<hbm>> -> memref<102400x16xf32, #tpu.memory_space<hbm>>
      tpu.wait_indirect_dma semaphore(%arg11 : memref<!tpu.dma_semaphore, #tpu.memory_space<semaphore_mem>>) src(%dma_wait3A_190 : memref<102400x16xf32, #tpu.memory_space<hbm>>) dst(%dma_wait3A_185 : memref<80x16xf32, #tpu.memory_space<vmem>>)
      "tpu.region"() ({
        %run_scoped3A = tpu.sem_alloc : memref<!tpu.dma_semaphore, #tpu.memory_space<semaphore_mem>>
        %dma_start3A_192 = arith.constant 0 : i32
        %dma_start3A_193 = arith.constant 0 : i32
        %dma_start3A_194 = tpu.memref_slice %arg8[%dma_start3A_192, %dma_start3A_193] : memref<800x16xf32, #tpu.memory_space<vmem>> -> memref<80x16xf32, #tpu.memory_space<vmem>>
        %dma_start3A_195 = arith.constant 0 : i32
        %dma_start3A_196 = tpu.memref_slice %arg7[%dma_start3A_195] : memref<800xi32, #tpu.memory_space<vmem>> -> memref<80xi32, #tpu.memory_space<vmem>>
        %dma_start3A_197 = arith.constant 0 : i32
        %dma_start3A_198 = arith.constant 0 : i32
        %dma_start3A_199 = tpu.memref_slice %arg10[%dma_start3A_197, %dma_start3A_198] : memref<102400x16xf32, #tpu.memory_space<vmem_shared>> -> memref<102400x16xf32, #tpu.memory_space<vmem_shared>>
        tpu.enqueue_indirect_dma source(%dma_start3A_194 : memref<80x16xf32, #tpu.memory_space<vmem>>) target(%dma_start3A_199 : memref<102400x16xf32, #tpu.memory_space<vmem_shared>>) offsets(%dma_start3A_196 : memref<80xi32, #tpu.memory_space<vmem>>) semaphore(%run_scoped3A : memref<!tpu.dma_semaphore, #tpu.memory_space<semaphore_mem>>) {add = true}
        %dma_wait3A_200 = arith.constant 0 : i32
        %dma_wait3A_201 = arith.constant 0 : i32
        %dma_wait3A_202 = tpu.memref_slice %arg8[%dma_wait3A_200, %dma_wait3A_201] : memref<800x16xf32, #tpu.memory_space<vmem>> -> memref<80x16xf32, #tpu.memory_space<vmem>>
        %dma_wait3A_203 = arith.constant 0 : i32
        %dma_wait3A_204 = tpu.memref_slice %arg7[%dma_wait3A_203] : memref<800xi32, #tpu.memory_space<vmem>> -> memref<80xi32, #tpu.memory_space<vmem>>
        %dma_wait3A_205 = arith.constant 0 : i32
        %dma_wait3A_206 = arith.constant 0 : i32
        %dma_wait3A_207 = tpu.memref_slice %arg10[%dma_wait3A_205, %dma_wait3A_206] : memref<102400x16xf32, #tpu.memory_space<vmem_shared>> -> memref<102400x16xf32, #tpu.memory_space<vmem_shared>>
        tpu.wait_indirect_dma semaphore(%run_scoped3A : memref<!tpu.dma_semaphore, #tpu.memory_space<semaphore_mem>>) src(%dma_wait3A_202 : memref<80x16xf32, #tpu.memory_space<vmem>>) dst(%dma_wait3A_207 : memref<102400x16xf32, #tpu.memory_space<vmem_shared>>)
        tpu.yield
      }) : () -> ()
      "tpu.region"() ({
        %run_scoped3A = tpu.sem_alloc : memref<!tpu.dma_semaphore, #tpu.memory_space<semaphore_mem>>
        %dma_start3A_192 = arith.constant 80 : i32
        %dma_start3A_193 = arith.constant 0 : i32
        %dma_start3A_194 = tpu.memref_slice %arg8[%dma_start3A_192, %dma_start3A_193] : memref<800x16xf32, #tpu.memory_space<vmem>> -> memref<80x16xf32, #tpu.memory_space<vmem>>
        %dma_start3A_195 = arith.constant 80 : i32
        %dma_start3A_196 = tpu.memref_slice %arg7[%dma_start3A_195] : memref<800xi32, #tpu.memory_space<vmem>> -> memref<80xi32, #tpu.memory_space<vmem>>
        %dma_start3A_197 = arith.constant 0 : i32
        %dma_start3A_198 = arith.constant 0 : i32
        %dma_start3A_199 = tpu.memref_slice %arg10[%dma_start3A_197, %dma_start3A_198] : memref<102400x16xf32, #tpu.memory_space<vmem_shared>> -> memref<102400x16xf32, #tpu.memory_space<vmem_shared>>
        tpu.enqueue_indirect_dma source(%dma_start3A_194 : memref<80x16xf32, #tpu.memory_space<vmem>>) target(%dma_start3A_199 : memref<102400x16xf32, #tpu.memory_space<vmem_shared>>) offsets(%dma_start3A_196 : memref<80xi32, #tpu.memory_space<vmem>>) semaphore(%run_scoped3A : memref<!tpu.dma_semaphore, #tpu.memory_space<semaphore_mem>>) {add = true}
        %dma_wait3A_200 = arith.constant 80 : i32
        %dma_wait3A_201 = arith.constant 0 : i32
        %dma_wait3A_202 = tpu.memref_slice %arg8[%dma_wait3A_200, %dma_wait3A_201] : memref<800x16xf32, #tpu.memory_space<vmem>> -> memref<80x16xf32, #tpu.memory_space<vmem>>
        %dma_wait3A_203 = arith.constant 80 : i32
        %dma_wait3A_204 = tpu.memref_slice %arg7[%dma_wait3A_203] : memref<800xi32, #tpu.memory_space<vmem>> -> memref<80xi32, #tpu.memory_space<vmem>>
        %dma_wait3A_205 = arith.constant 0 : i32
        %dma_wait3A_206 = arith.constant 0 : i32
        %dma_wait3A_207 = tpu.memref_slice %arg10[%dma_wait3A_205, %dma_wait3A_206] : memref<102400x16xf32, #tpu.memory_space<vmem_shared>> -> memref<102400x16xf32, #tpu.memory_space<vmem_shared>>
        tpu.wait_indirect_dma semaphore(%run_scoped3A : memref<!tpu.dma_semaphore, #tpu.memory_space<semaphore_mem>>) src(%dma_wait3A_202 : memref<80x16xf32, #tpu.memory_space<vmem>>) dst(%dma_wait3A_207 : memref<102400x16xf32, #tpu.memory_space<vmem_shared>>)
        tpu.yield
      }) : () -> ()
      "tpu.region"() ({
        %run_scoped3A = tpu.sem_alloc : memref<!tpu.dma_semaphore, #tpu.memory_space<semaphore_mem>>
        %dma_start3A_192 = arith.constant 160 : i32
        %dma_start3A_193 = arith.constant 0 : i32
        %dma_start3A_194 = tpu.memref_slice %arg8[%dma_start3A_192, %dma_start3A_193] : memref<800x16xf32, #tpu.memory_space<vmem>> -> memref<80x16xf32, #tpu.memory_space<vmem>>
        %dma_start3A_195 = arith.constant 160 : i32
        %dma_start3A_196 = tpu.memref_slice %arg7[%dma_start3A_195] : memref<800xi32, #tpu.memory_space<vmem>> -> memref<80xi32, #tpu.memory_space<vmem>>
        %dma_start3A_197 = arith.constant 0 : i32
        %dma_start3A_198 = arith.constant 0 : i32
        %dma_start3A_199 = tpu.memref_slice %arg10[%dma_start3A_197, %dma_start3A_198] : memref<102400x16xf32, #tpu.memory_space<vmem_shared>> -> memref<102400x16xf32, #tpu.memory_space<vmem_shared>>
        tpu.enqueue_indirect_dma source(%dma_start3A_194 : memref<80x16xf32, #tpu.memory_space<vmem>>) target(%dma_start3A_199 : memref<102400x16xf32, #tpu.memory_space<vmem_shared>>) offsets(%dma_start3A_196 : memref<80xi32, #tpu.memory_space<vmem>>) semaphore(%run_scoped3A : memref<!tpu.dma_semaphore, #tpu.memory_space<semaphore_mem>>) {add = true}
        %dma_wait3A_200 = arith.constant 160 : i32
        %dma_wait3A_201 = arith.constant 0 : i32
        %dma_wait3A_202 = tpu.memref_slice %arg8[%dma_wait3A_200, %dma_wait3A_201] : memref<800x16xf32, #tpu.memory_space<vmem>> -> memref<80x16xf32, #tpu.memory_space<vmem>>
        %dma_wait3A_203 = arith.constant 160 : i32
        %dma_wait3A_204 = tpu.memref_slice %arg7[%dma_wait3A_203] : memref<800xi32, #tpu.memory_space<vmem>> -> memref<80xi32, #tpu.memory_space<vmem>>
        %dma_wait3A_205 = arith.constant 0 : i32
        %dma_wait3A_206 = arith.constant 0 : i32
        %dma_wait3A_207 = tpu.memref_slice %arg10[%dma_wait3A_205, %dma_wait3A_206] : memref<102400x16xf32, #tpu.memory_space<vmem_shared>> -> memref<102400x16xf32, #tpu.memory_space<vmem_shared>>
        tpu.wait_indirect_dma semaphore(%run_scoped3A : memref<!tpu.dma_semaphore, #tpu.memory_space<semaphore_mem>>) src(%dma_wait3A_202 : memref<80x16xf32, #tpu.memory_space<vmem>>) dst(%dma_wait3A_207 : memref<102400x16xf32, #tpu.memory_space<vmem_shared>>)
        tpu.yield
      }) : () -> ()
      "tpu.region"() ({
        %run_scoped3A = tpu.sem_alloc : memref<!tpu.dma_semaphore, #tpu.memory_space<semaphore_mem>>
        %dma_start3A_192 = arith.constant 240 : i32
        %dma_start3A_193 = arith.constant 0 : i32
        %dma_start3A_194 = tpu.memref_slice %arg8[%dma_start3A_192, %dma_start3A_193] : memref<800x16xf32, #tpu.memory_space<vmem>> -> memref<80x16xf32, #tpu.memory_space<vmem>>
        %dma_start3A_195 = arith.constant 240 : i32
        %dma_start3A_196 = tpu.memref_slice %arg7[%dma_start3A_195] : memref<800xi32, #tpu.memory_space<vmem>> -> memref<80xi32, #tpu.memory_space<vmem>>
        %dma_start3A_197 = arith.constant 0 : i32
        %dma_start3A_198 = arith.constant 0 : i32
        %dma_start3A_199 = tpu.memref_slice %arg10[%dma_start3A_197, %dma_start3A_198] : memref<102400x16xf32, #tpu.memory_space<vmem_shared>> -> memref<102400x16xf32, #tpu.memory_space<vmem_shared>>
        tpu.enqueue_indirect_dma source(%dma_start3A_194 : memref<80x16xf32, #tpu.memory_space<vmem>>) target(%dma_start3A_199 : memref<102400x16xf32, #tpu.memory_space<vmem_shared>>) offsets(%dma_start3A_196 : memref<80xi32, #tpu.memory_space<vmem>>) semaphore(%run_scoped3A : memref<!tpu.dma_semaphore, #tpu.memory_space<semaphore_mem>>) {add = true}
        %dma_wait3A_200 = arith.constant 240 : i32
        %dma_wait3A_201 = arith.constant 0 : i32
        %dma_wait3A_202 = tpu.memref_slice %arg8[%dma_wait3A_200, %dma_wait3A_201] : memref<800x16xf32, #tpu.memory_space<vmem>> -> memref<80x16xf32, #tpu.memory_space<vmem>>
        %dma_wait3A_203 = arith.constant 240 : i32
        %dma_wait3A_204 = tpu.memref_slice %arg7[%dma_wait3A_203] : memref<800xi32, #tpu.memory_space<vmem>> -> memref<80xi32, #tpu.memory_space<vmem>>
        %dma_wait3A_205 = arith.constant 0 : i32
        %dma_wait3A_206 = arith.constant 0 : i32
        %dma_wait3A_207 = tpu.memref_slice %arg10[%dma_wait3A_205, %dma_wait3A_206] : memref<102400x16xf32, #tpu.memory_space<vmem_shared>> -> memref<102400x16xf32, #tpu.memory_space<vmem_shared>>
        tpu.wait_indirect_dma semaphore(%run_scoped3A : memref<!tpu.dma_semaphore, #tpu.memory_space<semaphore_mem>>) src(%dma_wait3A_202 : memref<80x16xf32, #tpu.memory_space<vmem>>) dst(%dma_wait3A_207 : memref<102400x16xf32, #tpu.memory_space<vmem_shared>>)
        tpu.yield
      }) : () -> ()
      "tpu.region"() ({
        %run_scoped3A = tpu.sem_alloc : memref<!tpu.dma_semaphore, #tpu.memory_space<semaphore_mem>>
        %dma_start3A_192 = arith.constant 320 : i32
        %dma_start3A_193 = arith.constant 0 : i32
        %dma_start3A_194 = tpu.memref_slice %arg8[%dma_start3A_192, %dma_start3A_193] : memref<800x16xf32, #tpu.memory_space<vmem>> -> memref<80x16xf32, #tpu.memory_space<vmem>>
        %dma_start3A_195 = arith.constant 320 : i32
        %dma_start3A_196 = tpu.memref_slice %arg7[%dma_start3A_195] : memref<800xi32, #tpu.memory_space<vmem>> -> memref<80xi32, #tpu.memory_space<vmem>>
        %dma_start3A_197 = arith.constant 0 : i32
        %dma_start3A_198 = arith.constant 0 : i32
        %dma_start3A_199 = tpu.memref_slice %arg10[%dma_start3A_197, %dma_start3A_198] : memref<102400x16xf32, #tpu.memory_space<vmem_shared>> -> memref<102400x16xf32, #tpu.memory_space<vmem_shared>>
        tpu.enqueue_indirect_dma source(%dma_start3A_194 : memref<80x16xf32, #tpu.memory_space<vmem>>) target(%dma_start3A_199 : memref<102400x16xf32, #tpu.memory_space<vmem_shared>>) offsets(%dma_start3A_196 : memref<80xi32, #tpu.memory_space<vmem>>) semaphore(%run_scoped3A : memref<!tpu.dma_semaphore, #tpu.memory_space<semaphore_mem>>) {add = true}
        %dma_wait3A_200 = arith.constant 320 : i32
        %dma_wait3A_201 = arith.constant 0 : i32
        %dma_wait3A_202 = tpu.memref_slice %arg8[%dma_wait3A_200, %dma_wait3A_201] : memref<800x16xf32, #tpu.memory_space<vmem>> -> memref<80x16xf32, #tpu.memory_space<vmem>>
        %dma_wait3A_203 = arith.constant 320 : i32
        %dma_wait3A_204 = tpu.memref_slice %arg7[%dma_wait3A_203] : memref<800xi32, #tpu.memory_space<vmem>> -> memref<80xi32, #tpu.memory_space<vmem>>
        %dma_wait3A_205 = arith.constant 0 : i32
        %dma_wait3A_206 = arith.constant 0 : i32
        %dma_wait3A_207 = tpu.memref_slice %arg10[%dma_wait3A_205, %dma_wait3A_206] : memref<102400x16xf32, #tpu.memory_space<vmem_shared>> -> memref<102400x16xf32, #tpu.memory_space<vmem_shared>>
        tpu.wait_indirect_dma semaphore(%run_scoped3A : memref<!tpu.dma_semaphore, #tpu.memory_space<semaphore_mem>>) src(%dma_wait3A_202 : memref<80x16xf32, #tpu.memory_space<vmem>>) dst(%dma_wait3A_207 : memref<102400x16xf32, #tpu.memory_space<vmem_shared>>)
        tpu.yield
      }) : () -> ()
      "tpu.region"() ({
        %run_scoped3A = tpu.sem_alloc : memref<!tpu.dma_semaphore, #tpu.memory_space<semaphore_mem>>
        %dma_start3A_192 = arith.constant 400 : i32
        %dma_start3A_193 = arith.constant 0 : i32
        %dma_start3A_194 = tpu.memref_slice %arg8[%dma_start3A_192, %dma_start3A_193] : memref<800x16xf32, #tpu.memory_space<vmem>> -> memref<80x16xf32, #tpu.memory_space<vmem>>
        %dma_start3A_195 = arith.constant 400 : i32
        %dma_start3A_196 = tpu.memref_slice %arg7[%dma_start3A_195] : memref<800xi32, #tpu.memory_space<vmem>> -> memref<80xi32, #tpu.memory_space<vmem>>
        %dma_start3A_197 = arith.constant 0 : i32
        %dma_start3A_198 = arith.constant 0 : i32
        %dma_start3A_199 = tpu.memref_slice %arg10[%dma_start3A_197, %dma_start3A_198] : memref<102400x16xf32, #tpu.memory_space<vmem_shared>> -> memref<102400x16xf32, #tpu.memory_space<vmem_shared>>
        tpu.enqueue_indirect_dma source(%dma_start3A_194 : memref<80x16xf32, #tpu.memory_space<vmem>>) target(%dma_start3A_199 : memref<102400x16xf32, #tpu.memory_space<vmem_shared>>) offsets(%dma_start3A_196 : memref<80xi32, #tpu.memory_space<vmem>>) semaphore(%run_scoped3A : memref<!tpu.dma_semaphore, #tpu.memory_space<semaphore_mem>>) {add = true}
        %dma_wait3A_200 = arith.constant 400 : i32
        %dma_wait3A_201 = arith.constant 0 : i32
        %dma_wait3A_202 = tpu.memref_slice %arg8[%dma_wait3A_200, %dma_wait3A_201] : memref<800x16xf32, #tpu.memory_space<vmem>> -> memref<80x16xf32, #tpu.memory_space<vmem>>
        %dma_wait3A_203 = arith.constant 400 : i32
        %dma_wait3A_204 = tpu.memref_slice %arg7[%dma_wait3A_203] : memref<800xi32, #tpu.memory_space<vmem>> -> memref<80xi32, #tpu.memory_space<vmem>>
        %dma_wait3A_205 = arith.constant 0 : i32
        %dma_wait3A_206 = arith.constant 0 : i32
        %dma_wait3A_207 = tpu.memref_slice %arg10[%dma_wait3A_205, %dma_wait3A_206] : memref<102400x16xf32, #tpu.memory_space<vmem_shared>> -> memref<102400x16xf32, #tpu.memory_space<vmem_shared>>
        tpu.wait_indirect_dma semaphore(%run_scoped3A : memref<!tpu.dma_semaphore, #tpu.memory_space<semaphore_mem>>) src(%dma_wait3A_202 : memref<80x16xf32, #tpu.memory_space<vmem>>) dst(%dma_wait3A_207 : memref<102400x16xf32, #tpu.memory_space<vmem_shared>>)
        tpu.yield
      }) : () -> ()
      "tpu.region"() ({
        %run_scoped3A = tpu.sem_alloc : memref<!tpu.dma_semaphore, #tpu.memory_space<semaphore_mem>>
        %dma_start3A_192 = arith.constant 480 : i32
        %dma_start3A_193 = arith.constant 0 : i32
        %dma_start3A_194 = tpu.memref_slice %arg8[%dma_start3A_192, %dma_start3A_193] : memref<800x16xf32, #tpu.memory_space<vmem>> -> memref<80x16xf32, #tpu.memory_space<vmem>>
        %dma_start3A_195 = arith.constant 480 : i32
        %dma_start3A_196 = tpu.memref_slice %arg7[%dma_start3A_195] : memref<800xi32, #tpu.memory_space<vmem>> -> memref<80xi32, #tpu.memory_space<vmem>>
        %dma_start3A_197 = arith.constant 0 : i32
        %dma_start3A_198 = arith.constant 0 : i32
        %dma_start3A_199 = tpu.memref_slice %arg10[%dma_start3A_197, %dma_start3A_198] : memref<102400x16xf32, #tpu.memory_space<vmem_shared>> -> memref<102400x16xf32, #tpu.memory_space<vmem_shared>>
        tpu.enqueue_indirect_dma source(%dma_start3A_194 : memref<80x16xf32, #tpu.memory_space<vmem>>) target(%dma_start3A_199 : memref<102400x16xf32, #tpu.memory_space<vmem_shared>>) offsets(%dma_start3A_196 : memref<80xi32, #tpu.memory_space<vmem>>) semaphore(%run_scoped3A : memref<!tpu.dma_semaphore, #tpu.memory_space<semaphore_mem>>) {add = true}
        %dma_wait3A_200 = arith.constant 480 : i32
        %dma_wait3A_201 = arith.constant 0 : i32
        %dma_wait3A_202 = tpu.memref_slice %arg8[%dma_wait3A_200, %dma_wait3A_201] : memref<800x16xf32, #tpu.memory_space<vmem>> -> memref<80x16xf32, #tpu.memory_space<vmem>>
        %dma_wait3A_203 = arith.constant 480 : i32
        %dma_wait3A_204 = tpu.memref_slice %arg7[%dma_wait3A_203] : memref<800xi32, #tpu.memory_space<vmem>> -> memref<80xi32, #tpu.memory_space<vmem>>
        %dma_wait3A_205 = arith.constant 0 : i32
        %dma_wait3A_206 = arith.constant 0 : i32
        %dma_wait3A_207 = tpu.memref_slice %arg10[%dma_wait3A_205, %dma_wait3A_206] : memref<102400x16xf32, #tpu.memory_space<vmem_shared>> -> memref<102400x16xf32, #tpu.memory_space<vmem_shared>>
        tpu.wait_indirect_dma semaphore(%run_scoped3A : memref<!tpu.dma_semaphore, #tpu.memory_space<semaphore_mem>>) src(%dma_wait3A_202 : memref<80x16xf32, #tpu.memory_space<vmem>>) dst(%dma_wait3A_207 : memref<102400x16xf32, #tpu.memory_space<vmem_shared>>)
        tpu.yield
      }) : () -> ()
      "tpu.region"() ({
        %run_scoped3A = tpu.sem_alloc : memref<!tpu.dma_semaphore, #tpu.memory_space<semaphore_mem>>
        %dma_start3A_192 = arith.constant 560 : i32
        %dma_start3A_193 = arith.constant 0 : i32
        %dma_start3A_194 = tpu.memref_slice %arg8[%dma_start3A_192, %dma_start3A_193] : memref<800x16xf32, #tpu.memory_space<vmem>> -> memref<80x16xf32, #tpu.memory_space<vmem>>
        %dma_start3A_195 = arith.constant 560 : i32
        %dma_start3A_196 = tpu.memref_slice %arg7[%dma_start3A_195] : memref<800xi32, #tpu.memory_space<vmem>> -> memref<80xi32, #tpu.memory_space<vmem>>
        %dma_start3A_197 = arith.constant 0 : i32
        %dma_start3A_198 = arith.constant 0 : i32
        %dma_start3A_199 = tpu.memref_slice %arg10[%dma_start3A_197, %dma_start3A_198] : memref<102400x16xf32, #tpu.memory_space<vmem_shared>> -> memref<102400x16xf32, #tpu.memory_space<vmem_shared>>
        tpu.enqueue_indirect_dma source(%dma_start3A_194 : memref<80x16xf32, #tpu.memory_space<vmem>>) target(%dma_start3A_199 : memref<102400x16xf32, #tpu.memory_space<vmem_shared>>) offsets(%dma_start3A_196 : memref<80xi32, #tpu.memory_space<vmem>>) semaphore(%run_scoped3A : memref<!tpu.dma_semaphore, #tpu.memory_space<semaphore_mem>>) {add = true}
        %dma_wait3A_200 = arith.constant 560 : i32
        %dma_wait3A_201 = arith.constant 0 : i32
        %dma_wait3A_202 = tpu.memref_slice %arg8[%dma_wait3A_200, %dma_wait3A_201] : memref<800x16xf32, #tpu.memory_space<vmem>> -> memref<80x16xf32, #tpu.memory_space<vmem>>
        %dma_wait3A_203 = arith.constant 560 : i32
        %dma_wait3A_204 = tpu.memref_slice %arg7[%dma_wait3A_203] : memref<800xi32, #tpu.memory_space<vmem>> -> memref<80xi32, #tpu.memory_space<vmem>>
        %dma_wait3A_205 = arith.constant 0 : i32
        %dma_wait3A_206 = arith.constant 0 : i32
        %dma_wait3A_207 = tpu.memref_slice %arg10[%dma_wait3A_205, %dma_wait3A_206] : memref<102400x16xf32, #tpu.memory_space<vmem_shared>> -> memref<102400x16xf32, #tpu.memory_space<vmem_shared>>
        tpu.wait_indirect_dma semaphore(%run_scoped3A : memref<!tpu.dma_semaphore, #tpu.memory_space<semaphore_mem>>) src(%dma_wait3A_202 : memref<80x16xf32, #tpu.memory_space<vmem>>) dst(%dma_wait3A_207 : memref<102400x16xf32, #tpu.memory_space<vmem_shared>>)
        tpu.yield
      }) : () -> ()
      "tpu.region"() ({
        %run_scoped3A = tpu.sem_alloc : memref<!tpu.dma_semaphore, #tpu.memory_space<semaphore_mem>>
        %dma_start3A_192 = arith.constant 640 : i32
        %dma_start3A_193 = arith.constant 0 : i32
        %dma_start3A_194 = tpu.memref_slice %arg8[%dma_start3A_192, %dma_start3A_193] : memref<800x16xf32, #tpu.memory_space<vmem>> -> memref<80x16xf32, #tpu.memory_space<vmem>>
        %dma_start3A_195 = arith.constant 640 : i32
        %dma_start3A_196 = tpu.memref_slice %arg7[%dma_start3A_195] : memref<800xi32, #tpu.memory_space<vmem>> -> memref<80xi32, #tpu.memory_space<vmem>>
        %dma_start3A_197 = arith.constant 0 : i32
        %dma_start3A_198 = arith.constant 0 : i32
        %dma_start3A_199 = tpu.memref_slice %arg10[%dma_start3A_197, %dma_start3A_198] : memref<102400x16xf32, #tpu.memory_space<vmem_shared>> -> memref<102400x16xf32, #tpu.memory_space<vmem_shared>>
        tpu.enqueue_indirect_dma source(%dma_start3A_194 : memref<80x16xf32, #tpu.memory_space<vmem>>) target(%dma_start3A_199 : memref<102400x16xf32, #tpu.memory_space<vmem_shared>>) offsets(%dma_start3A_196 : memref<80xi32, #tpu.memory_space<vmem>>) semaphore(%run_scoped3A : memref<!tpu.dma_semaphore, #tpu.memory_space<semaphore_mem>>) {add = true}
        %dma_wait3A_200 = arith.constant 640 : i32
        %dma_wait3A_201 = arith.constant 0 : i32
        %dma_wait3A_202 = tpu.memref_slice %arg8[%dma_wait3A_200, %dma_wait3A_201] : memref<800x16xf32, #tpu.memory_space<vmem>> -> memref<80x16xf32, #tpu.memory_space<vmem>>
        %dma_wait3A_203 = arith.constant 640 : i32
        %dma_wait3A_204 = tpu.memref_slice %arg7[%dma_wait3A_203] : memref<800xi32, #tpu.memory_space<vmem>> -> memref<80xi32, #tpu.memory_space<vmem>>
        %dma_wait3A_205 = arith.constant 0 : i32
        %dma_wait3A_206 = arith.constant 0 : i32
        %dma_wait3A_207 = tpu.memref_slice %arg10[%dma_wait3A_205, %dma_wait3A_206] : memref<102400x16xf32, #tpu.memory_space<vmem_shared>> -> memref<102400x16xf32, #tpu.memory_space<vmem_shared>>
        tpu.wait_indirect_dma semaphore(%run_scoped3A : memref<!tpu.dma_semaphore, #tpu.memory_space<semaphore_mem>>) src(%dma_wait3A_202 : memref<80x16xf32, #tpu.memory_space<vmem>>) dst(%dma_wait3A_207 : memref<102400x16xf32, #tpu.memory_space<vmem_shared>>)
        tpu.yield
      }) : () -> ()
      "tpu.region"() ({
        %run_scoped3A = tpu.sem_alloc : memref<!tpu.dma_semaphore, #tpu.memory_space<semaphore_mem>>
        %dma_start3A_192 = arith.constant 720 : i32
        %dma_start3A_193 = arith.constant 0 : i32
        %dma_start3A_194 = tpu.memref_slice %arg8[%dma_start3A_192, %dma_start3A_193] : memref<800x16xf32, #tpu.memory_space<vmem>> -> memref<80x16xf32, #tpu.memory_space<vmem>>
        %dma_start3A_195 = arith.constant 720 : i32
        %dma_start3A_196 = tpu.memref_slice %arg7[%dma_start3A_195] : memref<800xi32, #tpu.memory_space<vmem>> -> memref<80xi32, #tpu.memory_space<vmem>>
        %dma_start3A_197 = arith.constant 0 : i32
        %dma_start3A_198 = arith.constant 0 : i32
        %dma_start3A_199 = tpu.memref_slice %arg10[%dma_start3A_197, %dma_start3A_198] : memref<102400x16xf32, #tpu.memory_space<vmem_shared>> -> memref<102400x16xf32, #tpu.memory_space<vmem_shared>>
        tpu.enqueue_indirect_dma source(%dma_start3A_194 : memref<80x16xf32, #tpu.memory_space<vmem>>) target(%dma_start3A_199 : memref<102400x16xf32, #tpu.memory_space<vmem_shared>>) offsets(%dma_start3A_196 : memref<80xi32, #tpu.memory_space<vmem>>) semaphore(%run_scoped3A : memref<!tpu.dma_semaphore, #tpu.memory_space<semaphore_mem>>) {add = true}
        %dma_wait3A_200 = arith.constant 720 : i32
        %dma_wait3A_201 = arith.constant 0 : i32
        %dma_wait3A_202 = tpu.memref_slice %arg8[%dma_wait3A_200, %dma_wait3A_201] : memref<800x16xf32, #tpu.memory_space<vmem>> -> memref<80x16xf32, #tpu.memory_space<vmem>>
        %dma_wait3A_203 = arith.constant 720 : i32
        %dma_wait3A_204 = tpu.memref_slice %arg7[%dma_wait3A_203] : memref<800xi32, #tpu.memory_space<vmem>> -> memref<80xi32, #tpu.memory_space<vmem>>
        %dma_wait3A_205 = arith.constant 0 : i32
        %dma_wait3A_206 = arith.constant 0 : i32
        %dma_wait3A_207 = tpu.memref_slice %arg10[%dma_wait3A_205, %dma_wait3A_206] : memref<102400x16xf32, #tpu.memory_space<vmem_shared>> -> memref<102400x16xf32, #tpu.memory_space<vmem_shared>>
        tpu.wait_indirect_dma semaphore(%run_scoped3A : memref<!tpu.dma_semaphore, #tpu.memory_space<semaphore_mem>>) src(%dma_wait3A_202 : memref<80x16xf32, #tpu.memory_space<vmem>>) dst(%dma_wait3A_207 : memref<102400x16xf32, #tpu.memory_space<vmem_shared>>)
        tpu.yield
      }) : () -> ()
      %scan3A_191 = arith.constant 0 : i32
      scf.yield %scan3A_191 : i32
    }
    %scan3A_20 = arith.constant 250 : i32
    %barrier3A_21 = arith.constant 0 : index
    tpu.barrier barrier_id(%barrier3A_21)
    %mul3A_22 = arith.constant 6400 : i32
    %mul3A_23 = arith.muli %arg1, %mul3A_22 : i32
    %mul3A_24 = arith.constant 6400 : i32
    %mul3A_25 = arith.muli %arg1, %mul3A_24 : i32
    "tpu.region"() ({
      %run_scoped3A = tpu.sem_alloc : memref<!tpu.dma_semaphore, #tpu.memory_space<semaphore_mem>>
      %dma_start3A = arith.constant 0 : i32
      %dma_start3A_26 = tpu.memref_slice %arg5[%arg0, %mul3A_25, %dma_start3A] : memref<2x102400x16xf32, #tpu.memory_space<hbm>> -> memref<1x6400x16xf32, #tpu.memory_space<hbm>>
      %dma_start3A_27 = tpu.memref_squeeze %dma_start3A_26 : memref<1x6400x16xf32, #tpu.memory_space<hbm>> -> memref<6400x16xf32, #tpu.memory_space<hbm>>
      %dma_start3A_28 = arith.constant 0 : i32
      %dma_start3A_29 = tpu.memref_slice %arg10[%mul3A_23, %dma_start3A_28] : memref<102400x16xf32, #tpu.memory_space<vmem_shared>> -> memref<6400x16xf32, #tpu.memory_space<vmem_shared>>
      tpu.enqueue_dma source(%dma_start3A_29 : memref<6400x16xf32, #tpu.memory_space<vmem_shared>>) target(%dma_start3A_27 : memref<6400x16xf32, #tpu.memory_space<hbm>>) target_semaphore(%run_scoped3A : memref<!tpu.dma_semaphore, #tpu.memory_space<semaphore_mem>>)
      %dma_wait3A = arith.constant 0 : i32
      %dma_wait3A_30 = tpu.memref_slice %arg5[%arg0, %mul3A_25, %dma_wait3A] : memref<2x102400x16xf32, #tpu.memory_space<hbm>> -> memref<1x6400x16xf32, #tpu.memory_space<hbm>>
      %dma_wait3A_31 = tpu.memref_squeeze %dma_wait3A_30 : memref<1x6400x16xf32, #tpu.memory_space<hbm>> -> memref<6400x16xf32, #tpu.memory_space<hbm>>
      %dma_wait3A_32 = arith.constant 0 : i32
      %dma_wait3A_33 = tpu.memref_slice %arg10[%mul3A_23, %dma_wait3A_32] : memref<102400x16xf32, #tpu.memory_space<vmem_shared>> -> memref<6400x16xf32, #tpu.memory_space<vmem_shared>>
      tpu.wait_dma2 semaphore(%run_scoped3A : memref<!tpu.dma_semaphore, #tpu.memory_space<semaphore_mem>>) src(%dma_wait3A_33 : memref<6400x16xf32, #tpu.memory_space<vmem_shared>>) dst(%dma_wait3A_31 : memref<6400x16xf32, #tpu.memory_space<hbm>>)
      tpu.yield
    }) : () -> ()
    return
  }
}

module attributes {stable_mosaic.version = 14 : i64} {
  func.func @_mlp_body(%arg0: i32, %arg1: memref<1600x128xf32, #tpu.memory_space<vmem>>, %arg2: memref<1600x128xf32, #tpu.memory_space<vmem>>, %arg3: memref<1600x128xf32, #tpu.memory_space<vmem>>, %arg4: memref<128x128xf32, #tpu.memory_space<vmem>>, %arg5: memref<1x128xf32, #tpu.memory_space<vmem>>, %arg6: memref<128x128xf32, #tpu.memory_space<vmem>>, %arg7: memref<1x128xf32, #tpu.memory_space<vmem>>, %arg8: memref<1600x128xf32, #tpu.memory_space<vmem>>) attributes {dimension_semantics = [#tpu.dimension_semantics<arbitrary>], iteration_bounds = array<i64: 8>, scalar_prefetch = 0 : i64, scratch_operands = 0 : i64, tpu.core_type = #tpu.core_type<tc>, window_params = [{transform_indices = @transform_0, window_bounds = array<i64: 1600, 128>}, {transform_indices = @transform_1, window_bounds = array<i64: 1600, 128>}, {transform_indices = @transform_2, window_bounds = array<i64: 1600, 128>}, {pipeline_mode = #tpu.pipeline_mode<synchronous>, transform_indices = @transform_3, window_bounds = array<i64: 128, 128>}, {pipeline_mode = #tpu.pipeline_mode<synchronous>, transform_indices = @transform_4, window_bounds = array<i64: 1, 128>}, {pipeline_mode = #tpu.pipeline_mode<synchronous>, transform_indices = @transform_5, window_bounds = array<i64: 128, 128>}, {pipeline_mode = #tpu.pipeline_mode<synchronous>, transform_indices = @transform_6, window_bounds = array<i64: 1, 128>}, {transform_indices = @transform_7, window_bounds = array<i64: 1600, 128>}]} {
    %get3A = arith.constant 0 : index
    %get3A_0 = arith.constant 0 : index
    %get3A_1 = vector.load %arg1[%get3A, %get3A_0] : memref<1600x128xf32, #tpu.memory_space<vmem>>, vector<1600x128xf32>
    %get3A_2 = arith.constant 0 : index
    %get3A_3 = arith.constant 0 : index
    %get3A_4 = vector.load %arg2[%get3A_2, %get3A_3] : memref<1600x128xf32, #tpu.memory_space<vmem>>, vector<1600x128xf32>
    %add3A = arith.addf %get3A_1, %get3A_4 : vector<1600x128xf32>
    %get3A_5 = arith.constant 0 : index
    %get3A_6 = arith.constant 0 : index
    %get3A_7 = vector.load %arg3[%get3A_5, %get3A_6] : memref<1600x128xf32, #tpu.memory_space<vmem>>, vector<1600x128xf32>
    %add3A_8 = arith.addf %add3A, %get3A_7 : vector<1600x128xf32>
    %get3A_9 = arith.constant 0 : index
    %get3A_10 = arith.constant 0 : index
    %get3A_11 = vector.load %arg4[%get3A_9, %get3A_10] : memref<128x128xf32, #tpu.memory_space<vmem>>, vector<128x128xf32>
    %dot_general3A = arith.constant dense<0.000000e+00> : vector<1600x128xf32>
    %dot_general3A_12 = tpu.matmul %add3A_8, %get3A_11, %dot_general3A {dimension_numbers = #tpu.dot_dimension_numbers<[1], [0], [0], [1], [0, 0, 1, 1], [], []>, transpose_lhs_hint = false} : vector<1600x128xf32>, vector<128x128xf32>, vector<1600x128xf32> -> vector<1600x128xf32>
    %get3A_13 = arith.constant 0 : index
    %get3A_14 = arith.constant 0 : index
    %get3A_15 = vector.load %arg5[%get3A_13, %get3A_14] : memref<1x128xf32, #tpu.memory_space<vmem>>, vector<1x128xf32>
    %add3A_16 = vector.broadcast %get3A_15 : vector<1x128xf32> to vector<1600x128xf32>
    %add3A_17 = arith.addf %dot_general3A_12, %add3A_16 : vector<1600x128xf32>
    %max3A = arith.constant 0.000000e+00 : f32
    %max3A_18 = vector.broadcast %max3A : f32 to vector<1600x128xf32>
    %max3A_19 = arith.maximumf %add3A_17, %max3A_18 : vector<1600x128xf32>
    %get3A_20 = arith.constant 0 : index
    %get3A_21 = arith.constant 0 : index
    %get3A_22 = vector.load %arg6[%get3A_20, %get3A_21] : memref<128x128xf32, #tpu.memory_space<vmem>>, vector<128x128xf32>
    %dot_general3A_23 = arith.constant dense<0.000000e+00> : vector<1600x128xf32>
    %dot_general3A_24 = tpu.matmul %max3A_19, %get3A_22, %dot_general3A_23 {dimension_numbers = #tpu.dot_dimension_numbers<[1], [0], [0], [1], [0, 0, 1, 1], [], []>, transpose_lhs_hint = false} : vector<1600x128xf32>, vector<128x128xf32>, vector<1600x128xf32> -> vector<1600x128xf32>
    %get3A_25 = arith.constant 0 : index
    %get3A_26 = arith.constant 0 : index
    %get3A_27 = vector.load %arg7[%get3A_25, %get3A_26] : memref<1x128xf32, #tpu.memory_space<vmem>>, vector<1x128xf32>
    %add3A_28 = vector.broadcast %get3A_27 : vector<1x128xf32> to vector<1600x128xf32>
    %add3A_29 = arith.addf %dot_general3A_24, %add3A_28 : vector<1600x128xf32>
    %swap3A = arith.constant 0 : index
    %swap3A_30 = arith.constant 0 : index
    %swap3A_31 = vector.load %arg8[%swap3A, %swap3A_30] : memref<1600x128xf32, #tpu.memory_space<vmem>>, vector<1600x128xf32>
    tpu.vector_store %arg8[%swap3A, %swap3A_30], %add3A_29 {strides = array<i32>} : memref<1600x128xf32, #tpu.memory_space<vmem>>, vector<1600x128xf32>,
    return
  }
  func.func @transform_0(%arg0: i32) -> (i32, i32) {
    %c0_i32 = arith.constant 0 : i32
    %c0_i32_0 = arith.constant 0 : i32
    return %arg0, %c0_i32 : i32, i32
  }
  func.func @transform_1(%arg0: i32) -> (i32, i32) {
    %c0_i32 = arith.constant 0 : i32
    %c0_i32_0 = arith.constant 0 : i32
    return %arg0, %c0_i32 : i32, i32
  }
  func.func @transform_2(%arg0: i32) -> (i32, i32) {
    %c0_i32 = arith.constant 0 : i32
    %c0_i32_0 = arith.constant 0 : i32
    return %arg0, %c0_i32 : i32, i32
  }
  func.func @transform_3(%arg0: i32) -> (i32, i32) {
    %c0_i32 = arith.constant 0 : i32
    %c0_i32_0 = arith.constant 0 : i32
    %c0_i32_1 = arith.constant 0 : i32
    return %c0_i32, %c0_i32_0 : i32, i32
  }
  func.func @transform_4(%arg0: i32) -> (i32, i32) {
    %c0_i32 = arith.constant 0 : i32
    %c0_i32_0 = arith.constant 0 : i32
    %c0_i32_1 = arith.constant 0 : i32
    return %c0_i32, %c0_i32_0 : i32, i32
  }
  func.func @transform_5(%arg0: i32) -> (i32, i32) {
    %c0_i32 = arith.constant 0 : i32
    %c0_i32_0 = arith.constant 0 : i32
    %c0_i32_1 = arith.constant 0 : i32
    return %c0_i32, %c0_i32_0 : i32, i32
  }
  func.func @transform_6(%arg0: i32) -> (i32, i32) {
    %c0_i32 = arith.constant 0 : i32
    %c0_i32_0 = arith.constant 0 : i32
    %c0_i32_1 = arith.constant 0 : i32
    return %c0_i32, %c0_i32_0 : i32, i32
  }
  func.func @transform_7(%arg0: i32) -> (i32, i32) {
    %c0_i32 = arith.constant 0 : i32
    %c0_i32_0 = arith.constant 0 : i32
    return %arg0, %c0_i32 : i32, i32
  }
}

</mosaic_0001>

<sc_bundles>
// kernel: kernel.6.cloned.1.call-start
scs
__scs_entry_jumppad:
0x0: {  	(pc) =	sbr.rel $0x88, $3  }
0x1: {  	(tag) =	ssettag $0x0;
	lr =	simm.s32 $0x1  }
0x2: {  	[smem:$0x3F97] =	sst lr;
	_ =	strace $0xD0000000  }
0x3: {  	_ = 	snop  }
0x4: {  	_ = 	snop  }
0x5: {  	_ = 	snop  }
0x6: {  	_ = 	snop  }
0x7: {  	_ = 	snop  }
__scs_overlays_trampoline_lowered:
0x8: {  	[smem:$0x3FA6] =	sst s0  }
0x9: {  	[smem:$0x3FA7] =	sst s1  }
0xa: {  	[smem:$0x3FA8] =	sst s2  }
0xb: {  	[smem:$0x3FA9] =	sst s3  }
0xc: {  	[smem:$0x3FAA] =	sst s4  }
0xd: {  	[smem:$0x3FAB] =	sst s5  }
0xe: {  	[smem:$0x3FAC] =	sst s6  }
0xf: {  	[smem:$0x3FAD] =	sst s7  }
0x10: {  	[smem:$0x3FAE] =	sst s8  }
0x11: {  	[smem:$0x3FAF] =	sst s9;
	s0 =	simm.s32 @!p0 $0x0  }
0x12: {  	s1 =	sld [smem:$0x3F95];
	s0 =	simm.s32 @p0 $0x1  }
0x13: {  	[smem:$0x3FB0] =	sst s0;
	s0 =	simm.s32 @!p1 $0x0  }
0x14: {  	s2 =	sld [smem:$0x3F94];
	s0 =	simm.s32 @p1 $0x1  }
0x15: {  	[smem:$0x3FB1] =	sst s0;
	s0 =	simm.s32 @!p2 $0x0  }
0x16: {  	s3 =	sld [smem:$0x3FDB];
	s0 =	simm.s32 @p2 $0x1  }
0x17: {  	s4 =	simm.s32 $0x1BF5;
	[smem:$0x3FB3] =	sst s0  }
0x18: {  	s0 =	sld [smem:$0x3F96];
	_ =	swait.ge [sflag:s4], $0x0  }
0x19: {  	s7 =	sld [smem:$0x3F97]  }
0x1a: {  	s8 =	sadd.s32 $0xFFFFE003, lr  }
0x1b: {  	s9 =	sadd.s32 $0xFFFFFEF7, lr;
	s5 =	simm.s32 $0xFFFFFFFF;
	p2 =	slt.u32 s8, $0xFFFFF086  }
0x1c: {  	p1 =	slt.u32 s9, $0xF7A;
	s5 =	simm.s32 @!p2 $0x0  }
0x1d: {  	s5 =	simm.s32 @p1 $0x1;
	p0 =	seq.s32 s7, s2  }
0x1e: {  	s7 =	smul.u32 @!p0 $0xF7A, s2;
	p2 =	seq.s32 @!p0 s5, $0x0  }
0x1f: {  	s9 =	smul.u32 $0xF7A, s1;
	s8 =	simm.s32 @!p0 $0x1BF5;
	p2 =	por !p2, p0  }
0x20: {  	[sflag:s8] =	ssyncset.s32 @!p0 $0xFFFFF086;
	s6 =	sadd.s32 @!p0 s3, s7;
	s7 =	simm.s32 @!p0 $0x108  }
0x21: {  	s3 =	sadd.s32 s3, s9;
	s6 =	sadd.s32 @!p0 $0x88, s6;
	s7 =	simm.s32 @p2 $0x1082  }
0x22: {  	[simem:s7], [sflag:s8] =	dma.local @!p0 [hbm:s6], $0xF7A  }
0x23: {  	s9 =	sor.u32 $0xD0000000, s2;
	s6 =	simm.s32 $0x108;
	_ =	swait.ge @!p0 [sflag:s8], $0x0  }
0x24: {  	s3 =	sadd.s32 $0x88, s3;
	s6 =	simm.s32 @!p1 $0x1082;
	[sflag:s4] =	ssyncset.s32 $0xFFFFF086  }
0x25: {  	[simem:s6], [sflag:s4] =	dma.local [hbm:s3], $0xF7A  }
0x26: {  	[smem:$0x3F97] =	sst s1;
	(tag) =	ssettag s2;
	_ =	strace s9  }
0x27: {  	s1 =	sld [smem:$0x3FA7]  }
0x28: {  	s2 =	sld [smem:$0x3FA8]  }
0x29: {  	s4 =	sld [smem:$0x3FAA]  }
0x2a: {  	p0 =	seq.s32 s5, $0x0;
	s5 =	sld [smem:$0x3FAB]  }
0x2b: {  	s6 =	sld [smem:$0x3FAC]  }
0x2c: {  	s7 =	sld [smem:$0x3FAD]  }
0x2d: {  	s3 =	simm.s32 $0x108;
	s8 =	sld [smem:$0x3FAE]  }
0x2e: {  	s3 =	simm.s32 @!p0 $0x1082;
	s9 =	sld [smem:$0x3FAF]  }
0x2f: {  	lr =	sadd.s32 s0, s3;
	s0 =	sld [smem:$0x3FA6]  }
0x30: {  	s3 =	sld [smem:$0x3FA9]  }
0x31: {  	[smem:$0x3FB2] =	sst s10  }
0x32: {  	s10 =	sld [smem:$0x3FB0];
	_ =	sdelay $0x3  }
0x33: {  	p0 =	seq.s32 s10, $0x1;
	s10 =	sld [smem:$0x3FB2];
	_ =	sdelay $0x3  }
0x34: {  	[smem:$0x3FB2] =	sst s10  }
0x35: {  	s10 =	sld [smem:$0x3FB1];
	_ =	sdelay $0x3  }
0x36: {  	p1 =	seq.s32 s10, $0x1;
	s10 =	sld [smem:$0x3FB2];
	_ =	sdelay $0x3  }
0x37: {  	[smem:$0x3FB2] =	sst s10  }
0x38: {  	s10 =	sld [smem:$0x3FB3]  }
0x39: {  	_ = 	snop;
	(pc) =	sbr.ind lr, $3  }
0x3a: {  	_ = 	snop  }
0x3b: {  	_ = 	snop  }
0x3c: {  	p2 =	seq.s32 s10, $0x1;
	s10 =	sld [smem:$0x3FB2]  }
0x3d: {  	_ =	shalt  }
0x3e: {  	_ =	shalt  }
0x3f: {  	_ =	shalt  }
0x40: {  	_ =	shalt  }
0x41: {  	_ =	shalt  }
0x42: {  	_ =	shalt  }
0x43: {  	_ =	shalt  }
0x44: {  	_ =	shalt  }
0x45: {  	_ =	shalt  }
0x46: {  	_ =	shalt  }
0x47: {  	_ =	shalt  }
0x48: {  	_ =	shalt  }
0x49: {  	_ =	shalt  }
0x4a: {  	_ =	shalt  }
0x4b: {  	_ =	shalt  }
0x4c: {  	_ =	shalt  }
0x4d: {  	_ =	shalt  }
0x4e: {  	_ =	shalt  }
0x4f: {  	_ =	shalt  }
0x50: {  	_ =	shalt  }
0x51: {  	_ =	shalt  }
0x52: {  	_ =	shalt  }
0x53: {  	_ =	shalt  }
0x54: {  	_ =	shalt  }
0x55: {  	_ =	shalt  }
0x56: {  	_ =	shalt  }
0x57: {  	_ =	shalt  }
0x58: {  	_ =	shalt  }
0x59: {  	_ =	shalt  }
0x5a: {  	_ =	shalt  }
0x5b: {  	_ =	shalt  }
0x5c: {  	_ =	shalt  }
0x5d: {  	_ =	shalt  }
0x5e: {  	_ =	shalt  }
0x5f: {  	_ =	shalt  }
0x60: {  	_ =	shalt  }
0x61: {  	_ =	shalt  }
0x62: {  	_ =	shalt  }
0x63: {  	_ =	shalt  }
0x64: {  	_ =	shalt  }
0x65: {  	_ =	shalt  }
0x66: {  	_ =	shalt  }
0x67: {  	_ =	shalt  }
0x68: {  	_ =	shalt  }
0x69: {  	_ =	shalt  }
0x6a: {  	_ =	shalt  }
0x6b: {  	_ =	shalt  }
0x6c: {  	_ =	shalt  }
0x6d: {  	_ =	shalt  }
0x6e: {  	_ =	shalt  }
0x6f: {  	_ =	shalt  }
0x70: {  	_ =	shalt  }
0x71: {  	_ =	shalt  }
0x72: {  	_ =	shalt  }
0x73: {  	_ =	shalt  }
0x74: {  	_ =	shalt  }
0x75: {  	_ =	shalt  }
0x76: {  	_ =	shalt  }
0x77: {  	_ =	shalt  }
0x78: {  	_ =	shalt  }
0x79: {  	_ =	shalt  }
0x7a: {  	_ =	shalt  }
0x7b: {  	_ =	shalt  }
0x7c: {  	_ =	shalt  }
0x7d: {  	_ =	shalt  }
0x7e: {  	_ =	shalt  }
0x7f: {  	_ =	shalt  }
0x80: {  	_ =	shalt  }
0x81: {  	_ =	shalt  }
0x82: {  	_ =	shalt  }
0x83: {  	_ =	shalt  }
0x84: {  	_ =	shalt  }
0x85: {  	_ =	shalt  }
0x86: {  	_ =	shalt  }
0x87: {  	_ =	shalt  }
.Lfunc_end0:
.L_simem_size_0:
called_computation_lowered:
.L_overlay_start_0:
0x88: {  	s2 =	sld [smem:$0x3FD9]  }
0x89: {  	s3 =	sld [smem:$0x3FFE];
	_ =	sdelay $0x1  }
0x8a: {  	s1 =	srdreg.scid  }
0x8b: {  	s0 =	sand.u32 $0x1, s1  }
0x8c: {  	s16 =	sshll.u32 s0, $0xA;
	s2 =	sadd.s32 s3, s2  }
0x8d: {  	s2 =	sadd.s32 s2, s16  }
0x8e: {  	[smem:$0x3FBE] =	sst s2  }
0x8f: {  	_ = 	snop  }
0x90: {  	(tm) =	ssettm $0x1  }
0x91: {  	s17 =	sld [smem:$0x3FFB];
	_ =	sdelay $0x3  }
0x92: {  	_ =	strace s17  }
0x93: {  	s2 =	sld [smem:$0x3FFC];
	_ =	sdelay $0x3  }
0x94: {  	_ =	strace s2  }
0x95: {  	s2 =	sld [smem:$0x3FFD];
	_ =	sdelay $0x3  }
0x96: {  	_ =	strace s2  }
0x97: {  	_ =	strace $0x8FFFFFFF  }
0x98: {  	s18 =	sld [smem:$0x3FDB];
	_ =	sdelay $0x1  }
0x99: {  	s19 =	simm.s32 $_scs_section_size  }
0x9a: {  	s4 =	simm.s32 $_size__tile_overlayer_lowered;
	s5 =	simm.s32 $_tile_overlayer_lowered  }
0x9b: {  	s22 =	simm.s32 $0x1BFF;
	s21 =	sshll.u32 s5, $0x1;
	s2 =	sadd.s32 s19, s18  }
0x9c: {  	s6 =	simm.s32 $0x0;
	s20 =	sshll.u32 s4, $0x1;
	s4 =	sadd.s32 s21, s2  }
0x9d: {  	[timem:s6], [sflag:s22] =	dma.local [hbm:s4], s20  }
0x9e: {  	_ =	swait.ge [sflag:s22], s20  }
0x9f: {  	s3 =	ssub.s32 $0x0, s20;
	[sflag:s22] =	ssyncset.done $0x0  }
0xa0: {  	[sflag:s22] =	ssyncadd.s32 s3;
	_ =	sdelay $0x1  }
0xa1: {  	s23 =	simm.s32 $0x1B8B  }
0xa2: {  	_ =	swait.ge [sflag:s23], $0x1  }
0xa3: {  	[sflag:s23] =	ssyncset.done $0x0  }
0xa4: {  	s25 =	simm.s32 $0x1B8E;
	s24 =	sld [smem:$0x3FFE];
	[sflag:s23] =	ssyncadd.s32 $0xFFFFFFFF  }
0xa5: {  	s26 =	simm.s32 $execute0_lowered;
	[smem:$0x3FD2] =	sst s25  }
0xa6: {  	s4 =	sshll.u32 s26, $0x1;
	_ =	strace $0x80000046;
	[dreg:$0x1] =	wrdreg $0xFFFFFFFF  }
0xa7: {  	s28 =	simm.s32 $_size_execute0_lowered;
	s2 =	sadd.s32 s2, s4;
	[dreg:$0x0] =	wrdreg $0x0  }
0xa8: {  	s4 =	sshll.u32 s28, $0x1;
	[dreg:$0x2] =	wrdreg s2  }
0xa9: {  	[dreg:$0x3] =	wrdreg s4  }
0xaa: {  	[dreg:$0x4] =	wrdreg $0xC0  }
0xab: {  	_ =	task [dreg:s6], $0x5FFFF  }
0xac: {  	[dreg:$0x1] =	wrdreg $0xFFFFFFFF  }
0xad: {  	[dreg:$0x0] =	wrdreg $0x60  }
0xae: {  	[dreg:$0x2] =	wrdreg s24  }
0xaf: {  	[dreg:$0x3] =	wrdreg $0x60400  }
0xb0: {  	[dreg:$0x4] =	wrdreg $0x9  }
0xb1: {  	_ =	task.clear_ibuf [dreg:s6], $0x5FFFF;
	_ =	strace $0x90000046  }
0xb2: {  	s29 =	simm.s32 $0x9;
	_ =	strace $0x80000048  }
0xb3: {  	_ =	swait.ge [sflag:s29], $0x1  }
0xb4: {  	[sflag:s29] =	ssyncadd.s32 $0xFFFFFFFF  }
0xb5: {  	_ =	strace $0x90000048  }
0xb6: {  	_ =	sfence  }
0xb7: {  	s30 =	sld [smem:$0x0];
	_ =	sdelay $0x2  }
0xb8: {  	s31 =	sshll.u32 s1, $0xD;
	s1 =	sshrl.u32 s1, $0x2  }
0xb9: {  	s3 =	sand.u32 $0x4000, s31;
	s1 =	sadd.s32 s1, s30  }
0xba: {  	s0 =	sor.u32 s3, s0;
	s1 =	sshll.u32 s1, $0x11  }
0xbb: {  	s0 =	sor.u32 s1, s0  }
0xbc: {  	s0 =	sadd.s32 $0x8F2B, s0  }
0xbd: {  	[sflag:s0] =	ssyncadd.remote.s32 $0x1  }
0xbe: {  	_ =	sfence.sel $0xFFFF  }
0xbf: {  	[dreg:$0x0] =	wrdreg $0xFFFFFFFF;
	(pc) =	sbr.abs _section_cstart, $3  }
0xc0: {  	[dreg:$0x1] =	wrdreg $0xFFFFFFFF  }
0xc1: {  	_ =	task.clear_ibuf [dreg:s6], $0x2FFFF;
	_ =	strace $0x9FFFFFFF  }
0xc2: {  	(tm) =	ssettm $0x7FFFFFFF  }
0xc3: {  	_ =	shalt  }
tec
execute0_lowered:
.L_overlay_start_1:
0x0: {  	(tag) =	ssettag $0x1  }
0x1: {  	s0 =	srdreg.scid;
	s1 =	rddreg [dreg:$0x0]  }
0x2: {  	s8 =	stileid.u32;
	s2 =	rddreg [dreg:$0x1]  }
0x3: {  	s3 =	simm.s32 $0x0;
	s19 =	simm.s32 $0xA0;
	s20 =	simm.s32 $0xF0  }
0x4: {  	s21 =	simm.s32 $0x140;
	s22 =	simm.s32 $0x190;
	s23 =	simm.s32 $0x1E0  }
0x5: {  	s28 =	simm.s32 $0x1F40;
	s29 =	simm.s32 $0x2440;
	[smem:$0x7FF] =	sst s3  }
0x6: {  	s4 =	smul.u32 $0x61A80, s8;
	_ =	strace $0x80000047;
	[dreg:$0x5] =	wrdreg s19  }
0x7: {  	s0 =	sand.u32 $0x1, s0;
	s24 =	smul.u32 $0x19000, s8;
	[dreg:$0x6] =	wrdreg s20  }
0x8: {  	s30 =	simm.s32 $0x2940;
	s5 =	smul.u32 $0x30D40, s0;
	[dreg:$0x7] =	wrdreg s21  }
0x9: {  	s6 =	smul.u32 $0x190000, s0;
	s0 =	ssub.s32 $0x2, s0;
	[dreg:$0x8] =	wrdreg s22  }
0xa: {  	[dreg:$0x9] =	wrdreg s23;
	s26 =	sshrl.u32 s0, $0x1;
	s4 =	sadd.s32 s5, s4  }
0xb: {  	s25 =	sadd.s32 s24, s6;
	s0 =	ssub.s32 s0, s26;
	s5 =	sadd.s32 s24, s2  }
0xc: {  	s24 =	simm.s32 $0x230;
	s4 =	sshrl.u32 s4, $0x3;
	s6 =	sshrl.u32 s25, $0x3  }
0xd: {  	s0 =	smax.u32 s0, $0x1;
	[dreg:$0xa] =	wrdreg s24;
	s25 =	simm.s32 $0x280  }
0xe: {  	s26 =	sshrl.u32 s5, $0x3;
	s7 =	sadd.s32 s4, s1;
	[dreg:$0xd] =	wrdreg s0  }
0xf: {  	s4 =	sadd.s32 $0x2E00, s1;
	s1 =	sadd.s32 s6, s1;
	[dreg:$0xb] =	wrdreg s25  }
0x10: {  	s8 =	smul.u32 $0x64000, s8;
	[dreg:$0x18] =	wrdreg s26;
	s1 =	sadd.s32 $0xF8400, s1  }
0x11: {  	s31 =	simm.s32 $0x2E40;
	s17 =	sadd.s32 $0x34E00, s7;
	[dreg:$0xc] =	wrdreg s1  }
0x12: {  	s8 =	sshrl.u32 s8, $0x2;
	s18 =	sadd.s32 $0x319800, s7;
	[dreg:$0x3] =	wrdreg s17  }
0x13: {  	s19 =	simm.s32 $0x320;
	s1 =	sadd.s32 s8, s2;
	[dreg:$0x4] =	wrdreg s18  }
0x14: {  	s20 =	simm.s32 $0x50;
	s9 =	sadd.s32 $0x2800, s1;
	[dreg:$0xe] =	wrdreg s1  }
0x15: {  	s21 =	simm.s32 $0x640;
	s10 =	sadd.s32 $0x5000, s1;
	[dreg:$0xf] =	wrdreg s9  }
0x16: {  	s22 =	simm.s32 $0xB40;
	s11 =	sadd.s32 $0x7800, s1;
	[dreg:$0x10] =	wrdreg s10  }
0x17: {  	s23 =	simm.s32 $0x1040;
	s12 =	sadd.s32 $0xA000, s1;
	[dreg:$0x11] =	wrdreg s11  }
0x18: {  	s24 =	simm.s32 $0x1540;
	s13 =	sadd.s32 $0xC800, s1;
	[dreg:$0x12] =	wrdreg s12  }
0x19: {  	s5 =	simm.s32 $0x1;
	s14 =	sadd.s32 $0xF000, s1;
	[dreg:$0x13] =	wrdreg s13  }
0x1a: {  	s26 =	simm.s32 $0x1A40;
	s15 =	sadd.s32 $0x11800, s1;
	[dreg:$0x14] =	wrdreg s14  }
0x1b: {  	s0 =	simm.s32 $0x3340;
	s16 =	sadd.s32 $0x14000, s1;
	[dreg:$0x15] =	wrdreg s15  }
0x1c: {  	s6 =	simm.s32 $0x370;
	s1 =	sadd.s32 $0x16800, s1;
	[dreg:$0x16] =	wrdreg s16  }
0x1d: {  	s18 =	simm.s32 $0x2;
	s8 =	simm.s32 $0x3C0;
	[dreg:$0x17] =	wrdreg s1  }
0x1e: {  	s1 =	simm.s32 $0x2D0;
	s9 =	simm.s32 $0x410;
	s10 =	simm.s32 $0x460  }
0x1f: {  	s11 =	simm.s32 $0x4B0;
	s12 =	simm.s32 $0x500;
	s13 =	simm.s32 $0x550  }
0x20: {  	v0 =	vimm.f32 $0.0e+00;
	s14 =	simm.s32 $0x5A0;
	s15 =	simm.s32 $0x5F0;
	s16 =	simm.s32 $0x0  }
.LBB2_1:
0x21: {  	[dreg:$0x19] =	wrdreg s16;
	s7 =	simm.s32 $0x40;
	s17 =	simm.s32 $0x0  }
.LBB2_2:
0x22: {  	p0 =	sne.s32 s7, $0x9FC0;
	[tilespmem:s17+$0x3840] =	vst v0;
	s17 =	smov.u32 s7;
	s7 =	sadd.s32 $0x40, s7  }
.Ltmp0:
0x23: {  	(pc) =	sbr.rel @p0 .LBB2_2-.Ltmp0, $2  }
0x24: {  	_ =	sdelay $0x2  }
0x25: {  	s17 =	sshra.s32 s17, $0x2  }
0x26: {  	[tilespmem:s17+$0x3840] =	vst v0;
	s7 =	rddreg [dreg:$0xe];
	s16 =	simm.s32 $0x3840  }
0x27: {  	[spmem:s7] =	stream.linear.scatter [tilespmem:s16], [sflag:$0x2], $0x2800, $0x38;
	[tilespmem:$0x1F040] =	vst v63  }
0x28: {  	_ =	swait.ge [sflag:s18], $0x2800  }
0x29: {  	[sflag:s18] =	ssyncset.done $0x0  }
0x2a: {  	s25 =	rddreg [dreg:$0xf];
	[sflag:s18] =	ssyncadd.s32 $0xFFFFD800  }
0x2b: {  	[spmem:s25] =	stream.linear.scatter [tilespmem:s16], [sflag:$0x2], $0x2800, $0x38;
	[tilespmem:$0x1F040] =	vst v63  }
0x2c: {  	_ =	swait.ge [sflag:s18], $0x2800  }
0x2d: {  	[sflag:s18] =	ssyncset.done $0x0  }
0x2e: {  	s17 =	rddreg [dreg:$0x10];
	[sflag:s18] =	ssyncadd.s32 $0xFFFFD800  }
0x2f: {  	[spmem:s17] =	stream.linear.scatter [tilespmem:s16], [sflag:$0x2], $0x2800, $0x38;
	[tilespmem:$0x1F040] =	vst v63  }
0x30: {  	_ =	swait.ge [sflag:s18], $0x2800  }
0x31: {  	[sflag:s18] =	ssyncset.done $0x0  }
0x32: {  	s25 =	rddreg [dreg:$0x11];
	[sflag:s18] =	ssyncadd.s32 $0xFFFFD800  }
0x33: {  	[spmem:s25] =	stream.linear.scatter [tilespmem:s16], [sflag:$0x2], $0x2800, $0x38;
	[tilespmem:$0x1F040] =	vst v63  }
0x34: {  	_ =	swait.ge [sflag:s18], $0x2800  }
0x35: {  	[sflag:s18] =	ssyncset.done $0x0  }
0x36: {  	s17 =	rddreg [dreg:$0x12];
	[sflag:s18] =	ssyncadd.s32 $0xFFFFD800  }
0x37: {  	[spmem:s17] =	stream.linear.scatter [tilespmem:s16], [sflag:$0x2], $0x2800, $0x38;
	[tilespmem:$0x1F040] =	vst v63  }
0x38: {  	_ =	swait.ge [sflag:s18], $0x2800  }
0x39: {  	[sflag:s18] =	ssyncset.done $0x0  }
0x3a: {  	s25 =	rddreg [dreg:$0x13];
	[sflag:s18] =	ssyncadd.s32 $0xFFFFD800  }
0x3b: {  	[spmem:s25] =	stream.linear.scatter [tilespmem:s16], [sflag:$0x2], $0x2800, $0x38;
	[tilespmem:$0x1F040] =	vst v63  }
0x3c: {  	_ =	swait.ge [sflag:s18], $0x2800  }
0x3d: {  	[sflag:s18] =	ssyncset.done $0x0  }
0x3e: {  	s17 =	rddreg [dreg:$0x14];
	[sflag:s18] =	ssyncadd.s32 $0xFFFFD800  }
0x3f: {  	[spmem:s17] =	stream.linear.scatter [tilespmem:s16], [sflag:$0x2], $0x2800, $0x38;
	[tilespmem:$0x1F040] =	vst v63  }
0x40: {  	_ =	swait.ge [sflag:s18], $0x2800  }
0x41: {  	[sflag:s18] =	ssyncset.done $0x0  }
0x42: {  	s25 =	rddreg [dreg:$0x15];
	[sflag:s18] =	ssyncadd.s32 $0xFFFFD800  }
0x43: {  	[spmem:s25] =	stream.linear.scatter [tilespmem:s16], [sflag:$0x2], $0x2800, $0x38;
	[tilespmem:$0x1F040] =	vst v63  }
0x44: {  	_ =	swait.ge [sflag:s18], $0x2800  }
0x45: {  	[sflag:s18] =	ssyncset.done $0x0  }
0x46: {  	s17 =	rddreg [dreg:$0x16];
	[sflag:s18] =	ssyncadd.s32 $0xFFFFD800  }
0x47: {  	[spmem:s17] =	stream.linear.scatter [tilespmem:s16], [sflag:$0x2], $0x2800, $0x38;
	[tilespmem:$0x1F040] =	vst v63  }
0x48: {  	_ =	swait.ge [sflag:s18], $0x2800  }
0x49: {  	[sflag:s18] =	ssyncset.done $0x0  }
0x4a: {  	s25 =	rddreg [dreg:$0x17];
	[sflag:s18] =	ssyncadd.s32 $0xFFFFD800  }
0x4b: {  	[spmem:s25] =	stream.linear.scatter [tilespmem:s16], [sflag:$0x2], $0x2800, $0x38;
	[tilespmem:$0x1F040] =	vst v63  }
0x4c: {  	_ =	swait.ge [sflag:s18], $0x2800  }
0x4d: {  	[sflag:s18] =	ssyncset.done $0x0  }
0x4e: {  	[sflag:s18] =	ssyncadd.s32 $0xFFFFD800  }
0x4f: {  	[bflag:$0x0] =	sbarrier.arrive $0xFFFF  }
0x50: {  	s16 =	rddreg [dreg:$0x4]  }
0x51: {  	s7 =	sadd.s32 $0x0, s16  }
0x52: {  	[tilespmem:s3], [sflag:$0x2] =	stream.linear.gather [hbm4b:s7+s3], $0x320, $0x38;
	[tilespmem:$0x1F040] =	vst v63  }
0x53: {  	_ =	swait.ge [sflag:s18], $0x320  }
0x54: {  	s17 =	rddreg [dreg:$0x3];
	[sflag:s18] =	ssyncset.done $0x0  }
0x55: {  	[sflag:s18] =	ssyncadd.s32 $0xFFFFFCE0;
	s7 =	sadd.s32 $0x0, s17  }
0x56: {  	[tilespmem:s19], [sflag:$0x2] =	stream.linear.gather [hbm4b:s7+s3], $0x320, $0x38;
	[tilespmem:$0x1F040] =	vst v63  }
0x57: {  	_ =	swait.ge [sflag:s18], $0x320  }
0x58: {  	[sflag:s18] =	ssyncset.done $0x0  }
0x59: {  	[sflag:s18] =	ssyncadd.s32 $0xFFFFFCE0  }
0x5a: {  	[tilespmem:s21], [sflag:$0x1] =	stream.indirect.gather [hbm4b:s4+s20], $0x10, s3, s20, $0xb8;
	[tilespmem:$0x1F040] =	vst v63  }
0x5b: {  	_ = 	snop  }
0x5c: {  	[tilespmem:s22], [sflag:$0x1] =	stream.indirect.gather [hbm4b:s4+s20], $0x10, s20, s20, $0xb8;
	[tilespmem:$0x1F040] =	vst v63  }
0x5d: {  	s25 =	rddreg [dreg:$0x5]  }
0x5e: {  	[tilespmem:s23], [sflag:$0x1] =	stream.indirect.gather [hbm4b:s4+s20], $0x10, s25, s20, $0xb8;
	[tilespmem:$0x1F040] =	vst v63  }
0x5f: {  	s16 =	rddreg [dreg:$0x6]  }
0x60: {  	[tilespmem:s24], [sflag:$0x1] =	stream.indirect.gather [hbm4b:s4+s20], $0x10, s16, s20, $0xb8;
	[tilespmem:$0x1F040] =	vst v63  }
0x61: {  	s25 =	rddreg [dreg:$0x7]  }
0x62: {  	[tilespmem:s26], [sflag:$0x1] =	stream.indirect.gather [hbm4b:s4+s20], $0x10, s25, s20, $0xb8;
	[tilespmem:$0x1F040] =	vst v63  }
0x63: {  	s16 =	rddreg [dreg:$0x8]  }
0x64: {  	[tilespmem:s28], [sflag:$0x1] =	stream.indirect.gather [hbm4b:s4+s20], $0x10, s16, s20, $0xb8;
	[tilespmem:$0x1F040] =	vst v63  }
0x65: {  	s25 =	rddreg [dreg:$0x9]  }
0x66: {  	[tilespmem:s29], [sflag:$0x1] =	stream.indirect.gather [hbm4b:s4+s20], $0x10, s25, s20, $0xb8;
	[tilespmem:$0x1F040] =	vst v63  }
0x67: {  	s16 =	rddreg [dreg:$0xa]  }
0x68: {  	[tilespmem:s30], [sflag:$0x1] =	stream.indirect.gather [hbm4b:s4+s20], $0x10, s16, s20, $0xb8;
	[tilespmem:$0x1F040] =	vst v63  }
0x69: {  	s25 =	rddreg [dreg:$0xb]  }
0x6a: {  	[tilespmem:s31], [sflag:$0x1] =	stream.indirect.gather [hbm4b:s4+s20], $0x10, s25, s20, $0xb8;
	[tilespmem:$0x1F040] =	vst v63  }
0x6b: {  	_ = 	snop  }
0x6c: {  	[tilespmem:s0], [sflag:$0x1] =	stream.indirect.gather [hbm4b:s4+s20], $0x10, s1, s20, $0xb8;
	[tilespmem:$0x1F040] =	vst v63  }
0x6d: {  	_ =	swait.ge [sflag:s5], $0x500  }
0x6e: {  	[sflag:s5] =	ssyncset.done $0x0  }
0x6f: {  	[sflag:s5] =	ssyncadd.s32 $0xFFFFFB00  }
0x70: {  	_ =	swait.ge [sflag:s5], $0x500  }
0x71: {  	[sflag:s5] =	ssyncset.done $0x0  }
0x72: {  	[sflag:s5] =	ssyncadd.s32 $0xFFFFFB00  }
0x73: {  	_ =	swait.ge [sflag:s5], $0x500  }
0x74: {  	[sflag:s5] =	ssyncset.done $0x0  }
0x75: {  	[sflag:s5] =	ssyncadd.s32 $0xFFFFFB00  }
0x76: {  	_ =	swait.ge [sflag:s5], $0x500  }
0x77: {  	[sflag:s5] =	ssyncset.done $0x0  }
0x78: {  	[sflag:s5] =	ssyncadd.s32 $0xFFFFFB00  }
0x79: {  	_ =	swait.ge [sflag:s5], $0x500  }
0x7a: {  	[sflag:s5] =	ssyncset.done $0x0  }
0x7b: {  	[sflag:s5] =	ssyncadd.s32 $0xFFFFFB00  }
0x7c: {  	_ =	swait.ge [sflag:s5], $0x500  }
0x7d: {  	[sflag:s5] =	ssyncset.done $0x0  }
0x7e: {  	[sflag:s5] =	ssyncadd.s32 $0xFFFFFB00  }
0x7f: {  	_ =	swait.ge [sflag:s5], $0x500  }
0x80: {  	[sflag:s5] =	ssyncset.done $0x0  }
0x81: {  	[sflag:s5] =	ssyncadd.s32 $0xFFFFFB00  }
0x82: {  	_ =	swait.ge [sflag:s5], $0x500  }
0x83: {  	[sflag:s5] =	ssyncset.done $0x0  }
0x84: {  	[sflag:s5] =	ssyncadd.s32 $0xFFFFFB00  }
0x85: {  	_ =	swait.ge [sflag:s5], $0x500  }
0x86: {  	[sflag:s5] =	ssyncset.done $0x0  }
0x87: {  	[sflag:s5] =	ssyncadd.s32 $0xFFFFFB00  }
0x88: {  	_ =	swait.ge [sflag:s5], $0x500  }
0x89: {  	[sflag:s5] =	ssyncset.done $0x0  }
0x8a: {  	[sflag:s5] =	ssyncadd.s32 $0xFFFFFB00  }
0x8b: {  	[spmem:s2] =	stream.indirect.scatter.add.f32 [tilespmem:s21], [sflag:$0x2], $0x10, s19, s20, $0xb8;
	[tilespmem:$0x1F040] =	vst v63  }
0x8c: {  	_ =	swait.ge [sflag:s18], $0x500  }
0x8d: {  	[sflag:s18] =	ssyncset.done $0x0  }
0x8e: {  	[sflag:s18] =	ssyncadd.s32 $0xFFFFFB00  }
0x8f: {  	[spmem:s2] =	stream.indirect.scatter.add.f32 [tilespmem:s22], [sflag:$0x2], $0x10, s6, s20, $0xb8;
	[tilespmem:$0x1F040] =	vst v63  }
0x90: {  	_ =	swait.ge [sflag:s18], $0x500  }
0x91: {  	[sflag:s18] =	ssyncset.done $0x0  }
0x92: {  	[sflag:s18] =	ssyncadd.s32 $0xFFFFFB00  }
0x93: {  	[spmem:s2] =	stream.indirect.scatter.add.f32 [tilespmem:s23], [sflag:$0x2], $0x10, s8, s20, $0xb8;
	[tilespmem:$0x1F040] =	vst v63  }
0x94: {  	_ =	swait.ge [sflag:s18], $0x500  }
0x95: {  	[sflag:s18] =	ssyncset.done $0x0  }
0x96: {  	[sflag:s18] =	ssyncadd.s32 $0xFFFFFB00  }
0x97: {  	[spmem:s2] =	stream.indirect.scatter.add.f32 [tilespmem:s24], [sflag:$0x2], $0x10, s9, s20, $0xb8;
	[tilespmem:$0x1F040] =	vst v63  }
0x98: {  	_ =	swait.ge [sflag:s18], $0x500  }
0x99: {  	[sflag:s18] =	ssyncset.done $0x0  }
0x9a: {  	[sflag:s18] =	ssyncadd.s32 $0xFFFFFB00  }
0x9b: {  	[spmem:s2] =	stream.indirect.scatter.add.f32 [tilespmem:s26], [sflag:$0x2], $0x10, s10, s20, $0xb8;
	[tilespmem:$0x1F040] =	vst v63  }
0x9c: {  	_ =	swait.ge [sflag:s18], $0x500  }
0x9d: {  	[sflag:s18] =	ssyncset.done $0x0  }
0x9e: {  	[sflag:s18] =	ssyncadd.s32 $0xFFFFFB00  }
0x9f: {  	[spmem:s2] =	stream.indirect.scatter.add.f32 [tilespmem:s28], [sflag:$0x2], $0x10, s11, s20, $0xb8;
	[tilespmem:$0x1F040] =	vst v63  }
0xa0: {  	_ =	swait.ge [sflag:s18], $0x500  }
0xa1: {  	[sflag:s18] =	ssyncset.done $0x0  }
0xa2: {  	[sflag:s18] =	ssyncadd.s32 $0xFFFFFB00  }
0xa3: {  	[spmem:s2] =	stream.indirect.scatter.add.f32 [tilespmem:s29], [sflag:$0x2], $0x10, s12, s20, $0xb8;
	[tilespmem:$0x1F040] =	vst v63  }
0xa4: {  	_ =	swait.ge [sflag:s18], $0x500  }
0xa5: {  	[sflag:s18] =	ssyncset.done $0x0  }
0xa6: {  	[sflag:s18] =	ssyncadd.s32 $0xFFFFFB00  }
0xa7: {  	[spmem:s2] =	stream.indirect.scatter.add.f32 [tilespmem:s30], [sflag:$0x2], $0x10, s13, s20, $0xb8;
	[tilespmem:$0x1F040] =	vst v63  }
0xa8: {  	_ =	swait.ge [sflag:s18], $0x500  }
0xa9: {  	[sflag:s18] =	ssyncset.done $0x0  }
0xaa: {  	[sflag:s18] =	ssyncadd.s32 $0xFFFFFB00  }
0xab: {  	[spmem:s2] =	stream.indirect.scatter.add.f32 [tilespmem:s31], [sflag:$0x2], $0x10, s14, s20, $0xb8;
	[tilespmem:$0x1F040] =	vst v63  }
0xac: {  	_ =	swait.ge [sflag:s18], $0x500  }
0xad: {  	[sflag:s18] =	ssyncset.done $0x0  }
0xae: {  	[sflag:s18] =	ssyncadd.s32 $0xFFFFFB00  }
0xaf: {  	[spmem:s2] =	stream.indirect.scatter.add.f32 [tilespmem:s0], [sflag:$0x2], $0x10, s15, s20, $0xb8;
	[tilespmem:$0x1F040] =	vst v63  }
0xb0: {  	s7 =	simm.s32 $0xC8;
	_ =	swait.ge [sflag:s18], $0x500  }
0xb1: {  	s25 =	simm.s32 $0x64;
	s17 =	rddreg [dreg:$0x4];
	[sflag:s18] =	ssyncset.done $0x0  }
.LBB2_4:
0xb2: {  	[sflag:s18] =	ssyncadd.s32 $0xFFFFFB00;
	s17 =	sadd.s32 s25, s17  }
0xb3: {  	[tilespmem:s3], [sflag:$0x2] =	stream.linear.gather [hbm4b:s17+s3], $0x320, $0x38;
	[tilespmem:$0x1F040] =	vst v63  }
0xb4: {  	_ =	swait.ge [sflag:s18], $0x320  }
0xb5: {  	s17 =	rddreg [dreg:$0x3];
	[sflag:s18] =	ssyncset.done $0x0  }
0xb6: {  	[sflag:s18] =	ssyncadd.s32 $0xFFFFFCE0;
	s17 =	sadd.s32 s25, s17  }
0xb7: {  	[tilespmem:s19], [sflag:$0x2] =	stream.linear.gather [hbm4b:s17+s3], $0x320, $0x38;
	[tilespmem:$0x1F040] =	vst v63  }
0xb8: {  	_ =	swait.ge [sflag:s18], $0x320  }
0xb9: {  	[sflag:s18] =	ssyncset.done $0x0  }
0xba: {  	[sflag:s18] =	ssyncadd.s32 $0xFFFFFCE0  }
0xbb: {  	[tilespmem:s21], [sflag:$0x1] =	stream.indirect.gather [hbm4b:s4+s20], $0x10, s3, s20, $0xb8;
	[tilespmem:$0x1F040] =	vst v63  }
0xbc: {  	s16 =	smov.u32 s7  }
0xbd: {  	[tilespmem:s22], [sflag:$0x1] =	stream.indirect.gather [hbm4b:s4+s20], $0x10, s20, s20, $0xb8;
	[tilespmem:$0x1F040] =	vst v63  }
0xbe: {  	s25 =	smov.u32 s16;
	s16 =	rddreg [dreg:$0x5]  }
0xbf: {  	[tilespmem:s23], [sflag:$0x1] =	stream.indirect.gather [hbm4b:s4+s20], $0x10, s16, s20, $0xb8;
	[tilespmem:$0x1F040] =	vst v63  }
0xc0: {  	s17 =	rddreg [dreg:$0x6]  }
0xc1: {  	[tilespmem:s24], [sflag:$0x1] =	stream.indirect.gather [hbm4b:s4+s20], $0x10, s17, s20, $0xb8;
	[tilespmem:$0x1F040] =	vst v63  }
0xc2: {  	s16 =	rddreg [dreg:$0x7]  }
0xc3: {  	[tilespmem:s26], [sflag:$0x1] =	stream.indirect.gather [hbm4b:s4+s20], $0x10, s16, s20, $0xb8;
	[tilespmem:$0x1F040] =	vst v63  }
0xc4: {  	s17 =	rddreg [dreg:$0x8]  }
0xc5: {  	[tilespmem:s28], [sflag:$0x1] =	stream.indirect.gather [hbm4b:s4+s20], $0x10, s17, s20, $0xb8;
	[tilespmem:$0x1F040] =	vst v63  }
0xc6: {  	s16 =	rddreg [dreg:$0x9]  }
0xc7: {  	[tilespmem:s29], [sflag:$0x1] =	stream.indirect.gather [hbm4b:s4+s20], $0x10, s16, s20, $0xb8;
	[tilespmem:$0x1F040] =	vst v63  }
0xc8: {  	s17 =	rddreg [dreg:$0xa]  }
0xc9: {  	[tilespmem:s30], [sflag:$0x1] =	stream.indirect.gather [hbm4b:s4+s20], $0x10, s17, s20, $0xb8;
	[tilespmem:$0x1F040] =	vst v63  }
0xca: {  	s16 =	rddreg [dreg:$0xb]  }
0xcb: {  	[tilespmem:s31], [sflag:$0x1] =	stream.indirect.gather [hbm4b:s4+s20], $0x10, s16, s20, $0xb8;
	[tilespmem:$0x1F040] =	vst v63  }
0xcc: {  	_ = 	snop  }
0xcd: {  	[tilespmem:s0], [sflag:$0x1] =	stream.indirect.gather [hbm4b:s4+s20], $0x10, s1, s20, $0xb8;
	[tilespmem:$0x1F040] =	vst v63  }
0xce: {  	_ =	swait.ge [sflag:s5], $0x500  }
0xcf: {  	[sflag:s5] =	ssyncset.done $0x0  }
0xd0: {  	[sflag:s5] =	ssyncadd.s32 $0xFFFFFB00  }
0xd1: {  	_ =	swait.ge [sflag:s5], $0x500  }
0xd2: {  	[sflag:s5] =	ssyncset.done $0x0  }
0xd3: {  	[sflag:s5] =	ssyncadd.s32 $0xFFFFFB00  }
0xd4: {  	_ =	swait.ge [sflag:s5], $0x500  }
0xd5: {  	[sflag:s5] =	ssyncset.done $0x0  }
0xd6: {  	[sflag:s5] =	ssyncadd.s32 $0xFFFFFB00  }
0xd7: {  	_ =	swait.ge [sflag:s5], $0x500  }
0xd8: {  	[sflag:s5] =	ssyncset.done $0x0  }
0xd9: {  	[sflag:s5] =	ssyncadd.s32 $0xFFFFFB00  }
0xda: {  	_ =	swait.ge [sflag:s5], $0x500  }
0xdb: {  	[sflag:s5] =	ssyncset.done $0x0  }
0xdc: {  	[sflag:s5] =	ssyncadd.s32 $0xFFFFFB00  }
0xdd: {  	_ =	swait.ge [sflag:s5], $0x500  }
0xde: {  	[sflag:s5] =	ssyncset.done $0x0  }
0xdf: {  	[sflag:s5] =	ssyncadd.s32 $0xFFFFFB00  }
0xe0: {  	_ =	swait.ge [sflag:s5], $0x500  }
0xe1: {  	[sflag:s5] =	ssyncset.done $0x0  }
0xe2: {  	[sflag:s5] =	ssyncadd.s32 $0xFFFFFB00  }
0xe3: {  	_ =	swait.ge [sflag:s5], $0x500  }
0xe4: {  	[sflag:s5] =	ssyncset.done $0x0  }
0xe5: {  	[sflag:s5] =	ssyncadd.s32 $0xFFFFFB00  }
0xe6: {  	_ =	swait.ge [sflag:s5], $0x500  }
0xe7: {  	[sflag:s5] =	ssyncset.done $0x0  }
0xe8: {  	[sflag:s5] =	ssyncadd.s32 $0xFFFFFB00  }
0xe9: {  	_ =	swait.ge [sflag:s5], $0x500  }
0xea: {  	[sflag:s5] =	ssyncset.done $0x0  }
0xeb: {  	[sflag:s5] =	ssyncadd.s32 $0xFFFFFB00  }
0xec: {  	[spmem:s2] =	stream.indirect.scatter.add.f32 [tilespmem:s21], [sflag:$0x2], $0x10, s19, s20, $0xb8;
	[tilespmem:$0x1F040] =	vst v63  }
0xed: {  	_ =	swait.ge [sflag:s18], $0x500  }
0xee: {  	[sflag:s18] =	ssyncset.done $0x0  }
0xef: {  	[sflag:s18] =	ssyncadd.s32 $0xFFFFFB00  }
0xf0: {  	[spmem:s2] =	stream.indirect.scatter.add.f32 [tilespmem:s22], [sflag:$0x2], $0x10, s6, s20, $0xb8;
	[tilespmem:$0x1F040] =	vst v63  }
0xf1: {  	_ =	swait.ge [sflag:s18], $0x500  }
0xf2: {  	[sflag:s18] =	ssyncset.done $0x0  }
0xf3: {  	[sflag:s18] =	ssyncadd.s32 $0xFFFFFB00  }
0xf4: {  	[spmem:s2] =	stream.indirect.scatter.add.f32 [tilespmem:s23], [sflag:$0x2], $0x10, s8, s20, $0xb8;
	[tilespmem:$0x1F040] =	vst v63  }
0xf5: {  	_ =	swait.ge [sflag:s18], $0x500  }
0xf6: {  	[sflag:s18] =	ssyncset.done $0x0  }
0xf7: {  	[sflag:s18] =	ssyncadd.s32 $0xFFFFFB00  }
0xf8: {  	[spmem:s2] =	stream.indirect.scatter.add.f32 [tilespmem:s24], [sflag:$0x2], $0x10, s9, s20, $0xb8;
	[tilespmem:$0x1F040] =	vst v63  }
0xf9: {  	_ =	swait.ge [sflag:s18], $0x500  }
0xfa: {  	[sflag:s18] =	ssyncset.done $0x0  }
0xfb: {  	[sflag:s18] =	ssyncadd.s32 $0xFFFFFB00  }
0xfc: {  	[spmem:s2] =	stream.indirect.scatter.add.f32 [tilespmem:s26], [sflag:$0x2], $0x10, s10, s20, $0xb8;
	[tilespmem:$0x1F040] =	vst v63  }
0xfd: {  	_ =	swait.ge [sflag:s18], $0x500  }
0xfe: {  	[sflag:s18] =	ssyncset.done $0x0  }
0xff: {  	[sflag:s18] =	ssyncadd.s32 $0xFFFFFB00  }
0x100: {  	[spmem:s2] =	stream.indirect.scatter.add.f32 [tilespmem:s28], [sflag:$0x2], $0x10, s11, s20, $0xb8;
	[tilespmem:$0x1F040] =	vst v63  }
0x101: {  	_ =	swait.ge [sflag:s18], $0x500  }
0x102: {  	[sflag:s18] =	ssyncset.done $0x0  }
0x103: {  	[sflag:s18] =	ssyncadd.s32 $0xFFFFFB00  }
0x104: {  	[spmem:s2] =	stream.indirect.scatter.add.f32 [tilespmem:s29], [sflag:$0x2], $0x10, s12, s20, $0xb8;
	[tilespmem:$0x1F040] =	vst v63  }
0x105: {  	_ =	swait.ge [sflag:s18], $0x500  }
0x106: {  	[sflag:s18] =	ssyncset.done $0x0  }
0x107: {  	[sflag:s18] =	ssyncadd.s32 $0xFFFFFB00  }
0x108: {  	[spmem:s2] =	stream.indirect.scatter.add.f32 [tilespmem:s30], [sflag:$0x2], $0x10, s13, s20, $0xb8;
	[tilespmem:$0x1F040] =	vst v63  }
0x109: {  	_ =	swait.ge [sflag:s18], $0x500  }
0x10a: {  	[sflag:s18] =	ssyncset.done $0x0  }
0x10b: {  	[sflag:s18] =	ssyncadd.s32 $0xFFFFFB00  }
0x10c: {  	[spmem:s2] =	stream.indirect.scatter.add.f32 [tilespmem:s31], [sflag:$0x2], $0x10, s14, s20, $0xb8;
	[tilespmem:$0x1F040] =	vst v63  }
0x10d: {  	p0 =	sne.s32 s7, $0x6144;
	_ =	swait.ge [sflag:s18], $0x500  }
.Ltmp1:
0x10e: {  	[sflag:s18] =	ssyncset.done $0x0;
	(pc) =	sbr.rel @p0 .LBB2_4-.Ltmp1, $4  }
0x10f: {  	[sflag:s18] =	ssyncadd.s32 $0xFFFFFB00  }
0x110: {  	[spmem:s2] =	stream.indirect.scatter.add.f32 [tilespmem:s0], [sflag:$0x2], $0x10, s15, s20, $0xb8;
	[tilespmem:$0x1F040] =	vst v63  }
0x111: {  	_ =	swait.ge [sflag:s18], $0x500  }
0x112: {  	s7 =	sadd.s32 $0x64, s7;
	s17 =	rddreg [dreg:$0x4];
	[sflag:s18] =	ssyncset.done $0x0  }
0x113: {  	[sflag:s18] =	ssyncadd.s32 $0xFFFFFB00;
	s7 =	sadd.s32 s25, s17  }
0x114: {  	[tilespmem:s3], [sflag:$0x2] =	stream.linear.gather [hbm4b:s7+s3], $0x320, $0x38;
	[tilespmem:$0x1F040] =	vst v63  }
0x115: {  	_ =	swait.ge [sflag:s18], $0x320  }
0x116: {  	s16 =	rddreg [dreg:$0x3];
	[sflag:s18] =	ssyncset.done $0x0  }
0x117: {  	[sflag:s18] =	ssyncadd.s32 $0xFFFFFCE0;
	s7 =	sadd.s32 s25, s16  }
0x118: {  	[tilespmem:s19], [sflag:$0x2] =	stream.linear.gather [hbm4b:s7+s3], $0x320, $0x38;
	[tilespmem:$0x1F040] =	vst v63  }
0x119: {  	_ =	swait.ge [sflag:s18], $0x320  }
0x11a: {  	[sflag:s18] =	ssyncset.done $0x0  }
0x11b: {  	[sflag:s18] =	ssyncadd.s32 $0xFFFFFCE0  }
0x11c: {  	[tilespmem:s21], [sflag:$0x1] =	stream.indirect.gather [hbm4b:s4+s20], $0x10, s3, s20, $0xb8;
	[tilespmem:$0x1F040] =	vst v63  }
0x11d: {  	_ = 	snop  }
0x11e: {  	[tilespmem:s22], [sflag:$0x1] =	stream.indirect.gather [hbm4b:s4+s20], $0x10, s20, s20, $0xb8;
	[tilespmem:$0x1F040] =	vst v63  }
0x11f: {  	s17 =	rddreg [dreg:$0x5]  }
0x120: {  	[tilespmem:s23], [sflag:$0x1] =	stream.indirect.gather [hbm4b:s4+s20], $0x10, s17, s20, $0xb8;
	[tilespmem:$0x1F040] =	vst v63  }
0x121: {  	s16 =	rddreg [dreg:$0x6]  }
0x122: {  	[tilespmem:s24], [sflag:$0x1] =	stream.indirect.gather [hbm4b:s4+s20], $0x10, s16, s20, $0xb8;
	[tilespmem:$0x1F040] =	vst v63  }
0x123: {  	s25 =	rddreg [dreg:$0x7]  }
0x124: {  	[tilespmem:s26], [sflag:$0x1] =	stream.indirect.gather [hbm4b:s4+s20], $0x10, s25, s20, $0xb8;
	[tilespmem:$0x1F040] =	vst v63  }
0x125: {  	s17 =	rddreg [dreg:$0x8]  }
0x126: {  	[tilespmem:s28], [sflag:$0x1] =	stream.indirect.gather [hbm4b:s4+s20], $0x10, s17, s20, $0xb8;
	[tilespmem:$0x1F040] =	vst v63  }
0x127: {  	s25 =	rddreg [dreg:$0x9]  }
0x128: {  	[tilespmem:s29], [sflag:$0x1] =	stream.indirect.gather [hbm4b:s4+s20], $0x10, s25, s20, $0xb8;
	[tilespmem:$0x1F040] =	vst v63  }
0x129: {  	s17 =	rddreg [dreg:$0xa]  }
0x12a: {  	[tilespmem:s30], [sflag:$0x1] =	stream.indirect.gather [hbm4b:s4+s20], $0x10, s17, s20, $0xb8;
	[tilespmem:$0x1F040] =	vst v63  }
0x12b: {  	s25 =	rddreg [dreg:$0xb]  }
0x12c: {  	[tilespmem:s31], [sflag:$0x1] =	stream.indirect.gather [hbm4b:s4+s20], $0x10, s25, s20, $0xb8;
	[tilespmem:$0x1F040] =	vst v63  }
0x12d: {  	_ = 	snop  }
0x12e: {  	[tilespmem:s0], [sflag:$0x1] =	stream.indirect.gather [hbm4b:s4+s20], $0x10, s1, s20, $0xb8;
	[tilespmem:$0x1F040] =	vst v63  }
0x12f: {  	_ =	swait.ge [sflag:s5], $0x500  }
0x130: {  	[sflag:s5] =	ssyncset.done $0x0  }
0x131: {  	[sflag:s5] =	ssyncadd.s32 $0xFFFFFB00  }
0x132: {  	_ =	swait.ge [sflag:s5], $0x500  }
0x133: {  	[sflag:s5] =	ssyncset.done $0x0  }
0x134: {  	[sflag:s5] =	ssyncadd.s32 $0xFFFFFB00  }
0x135: {  	_ =	swait.ge [sflag:s5], $0x500  }
0x136: {  	[sflag:s5] =	ssyncset.done $0x0  }
0x137: {  	[sflag:s5] =	ssyncadd.s32 $0xFFFFFB00  }
0x138: {  	_ =	swait.ge [sflag:s5], $0x500  }
0x139: {  	[sflag:s5] =	ssyncset.done $0x0  }
0x13a: {  	[sflag:s5] =	ssyncadd.s32 $0xFFFFFB00  }
0x13b: {  	_ =	swait.ge [sflag:s5], $0x500  }
0x13c: {  	[sflag:s5] =	ssyncset.done $0x0  }
0x13d: {  	[sflag:s5] =	ssyncadd.s32 $0xFFFFFB00  }
0x13e: {  	_ =	swait.ge [sflag:s5], $0x500  }
0x13f: {  	[sflag:s5] =	ssyncset.done $0x0  }
0x140: {  	[sflag:s5] =	ssyncadd.s32 $0xFFFFFB00  }
0x141: {  	_ =	swait.ge [sflag:s5], $0x500  }
0x142: {  	[sflag:s5] =	ssyncset.done $0x0  }
0x143: {  	[sflag:s5] =	ssyncadd.s32 $0xFFFFFB00  }
0x144: {  	_ =	swait.ge [sflag:s5], $0x500  }
0x145: {  	[sflag:s5] =	ssyncset.done $0x0  }
0x146: {  	[sflag:s5] =	ssyncadd.s32 $0xFFFFFB00  }
0x147: {  	_ =	swait.ge [sflag:s5], $0x500  }
0x148: {  	[sflag:s5] =	ssyncset.done $0x0  }
0x149: {  	[sflag:s5] =	ssyncadd.s32 $0xFFFFFB00  }
0x14a: {  	_ =	swait.ge [sflag:s5], $0x500  }
0x14b: {  	[sflag:s5] =	ssyncset.done $0x0  }
0x14c: {  	[sflag:s5] =	ssyncadd.s32 $0xFFFFFB00  }
0x14d: {  	[spmem:s2] =	stream.indirect.scatter.add.f32 [tilespmem:s21], [sflag:$0x2], $0x10, s19, s20, $0xb8;
	[tilespmem:$0x1F040] =	vst v63  }
0x14e: {  	_ =	swait.ge [sflag:s18], $0x500  }
0x14f: {  	[sflag:s18] =	ssyncset.done $0x0  }
0x150: {  	[sflag:s18] =	ssyncadd.s32 $0xFFFFFB00  }
0x151: {  	[spmem:s2] =	stream.indirect.scatter.add.f32 [tilespmem:s22], [sflag:$0x2], $0x10, s6, s20, $0xb8;
	[tilespmem:$0x1F040] =	vst v63  }
0x152: {  	_ =	swait.ge [sflag:s18], $0x500  }
0x153: {  	[sflag:s18] =	ssyncset.done $0x0  }
0x154: {  	[sflag:s18] =	ssyncadd.s32 $0xFFFFFB00  }
0x155: {  	[spmem:s2] =	stream.indirect.scatter.add.f32 [tilespmem:s23], [sflag:$0x2], $0x10, s8, s20, $0xb8;
	[tilespmem:$0x1F040] =	vst v63  }
0x156: {  	_ =	swait.ge [sflag:s18], $0x500  }
0x157: {  	[sflag:s18] =	ssyncset.done $0x0  }
0x158: {  	[sflag:s18] =	ssyncadd.s32 $0xFFFFFB00  }
0x159: {  	[spmem:s2] =	stream.indirect.scatter.add.f32 [tilespmem:s24], [sflag:$0x2], $0x10, s9, s20, $0xb8;
	[tilespmem:$0x1F040] =	vst v63  }
0x15a: {  	_ =	swait.ge [sflag:s18], $0x500  }
0x15b: {  	[sflag:s18] =	ssyncset.done $0x0  }
0x15c: {  	[sflag:s18] =	ssyncadd.s32 $0xFFFFFB00  }
0x15d: {  	[spmem:s2] =	stream.indirect.scatter.add.f32 [tilespmem:s26], [sflag:$0x2], $0x10, s10, s20, $0xb8;
	[tilespmem:$0x1F040] =	vst v63  }
0x15e: {  	_ =	swait.ge [sflag:s18], $0x500  }
0x15f: {  	[sflag:s18] =	ssyncset.done $0x0  }
0x160: {  	[sflag:s18] =	ssyncadd.s32 $0xFFFFFB00  }
0x161: {  	[spmem:s2] =	stream.indirect.scatter.add.f32 [tilespmem:s28], [sflag:$0x2], $0x10, s11, s20, $0xb8;
	[tilespmem:$0x1F040] =	vst v63  }
0x162: {  	_ =	swait.ge [sflag:s18], $0x500  }
0x163: {  	[sflag:s18] =	ssyncset.done $0x0  }
0x164: {  	[sflag:s18] =	ssyncadd.s32 $0xFFFFFB00  }
0x165: {  	[spmem:s2] =	stream.indirect.scatter.add.f32 [tilespmem:s29], [sflag:$0x2], $0x10, s12, s20, $0xb8;
	[tilespmem:$0x1F040] =	vst v63  }
0x166: {  	_ =	swait.ge [sflag:s18], $0x500  }
0x167: {  	[sflag:s18] =	ssyncset.done $0x0  }
0x168: {  	[sflag:s18] =	ssyncadd.s32 $0xFFFFFB00  }
0x169: {  	[spmem:s2] =	stream.indirect.scatter.add.f32 [tilespmem:s30], [sflag:$0x2], $0x10, s13, s20, $0xb8;
	[tilespmem:$0x1F040] =	vst v63  }
0x16a: {  	_ =	swait.ge [sflag:s18], $0x500  }
0x16b: {  	[sflag:s18] =	ssyncset.done $0x0  }
0x16c: {  	[sflag:s18] =	ssyncadd.s32 $0xFFFFFB00  }
0x16d: {  	[spmem:s2] =	stream.indirect.scatter.add.f32 [tilespmem:s31], [sflag:$0x2], $0x10, s14, s20, $0xb8;
	[tilespmem:$0x1F040] =	vst v63  }
0x16e: {  	_ =	swait.ge [sflag:s18], $0x500  }
0x16f: {  	[sflag:s18] =	ssyncset.done $0x0  }
0x170: {  	[sflag:s18] =	ssyncadd.s32 $0xFFFFFB00  }
0x171: {  	[spmem:s2] =	stream.indirect.scatter.add.f32 [tilespmem:s0], [sflag:$0x2], $0x10, s15, s20, $0xb8;
	[tilespmem:$0x1F040] =	vst v63  }
0x172: {  	_ =	swait.ge [sflag:s18], $0x500  }
0x173: {  	[sflag:s18] =	ssyncset.done $0x0  }
0x174: {  	[sflag:s18] =	ssyncadd.s32 $0xFFFFFB00  }
0x175: {  	s16 =	stileid.u32;
	[bflag:$0x0] =	sbarrier.arrive $0xFFFF  }
0x176: {  	s7 =	sshll.u32 s16, $0x6;
	s17 =	rddreg [dreg:$0xc]  }
0x177: {  	s7 =	sor.u32 $0x1C02, s7;
	s25 =	rddreg [dreg:$0x18]  }
0x178: {  	[hbm:s17], [sflag:s7] =	dma.local [spmem:s25], $0x3200  }
0x179: {  	_ =	swait.ge [sflag:s18], $0x3200  }
0x17a: {  	s17 =	rddreg [dreg:$0x19]  }
0x17b: {  	s25 =	rddreg [dreg:$0xd];
	s16 =	sadd.s32 $0x1, s17  }
0x17c: {  	p0 =	sne.s32 s16, s25  }
.Ltmp2:
0x17d: {  	_ = 	snop;
	(pc) =	sbr.rel @p0 .LBB2_1-.Ltmp2, $3  }
0x17e: {  	_ =	sdelay $0x1  }
0x17f: {  	[sflag:s18] =	ssyncset.done $0x0  }
0x180: {  	[sflag:s18] =	ssyncadd.s32 $0xFFFFCE00  }
0x181: {  	_ =	sfence.sel $0x180000  }
0x182: {  	[bflag:$0x0] =	sbarrier.arrive $0xFFFF  }
0x183: {  	_ =	strace $0x90000047  }
0x184: {  	s0 =	stileid.u32;
	[bflag:$0x2] =	sbarrier.arrive $0xFFFF  }
0x185: {  	p0 =	sne.s32 s0, $0x0;
	s0 =	rddreg [dreg:$0x2]  }
0x186: {  	s0 =	sadd.s32 @!p0 $0x100000, s0  }
0x187: {  	[sflag:s0] =	ssyncadd.tile.s32 @!p0 $0x1;
	_ =	shalt  }
.Lfunc_end2:
_tile_overlayer_lowered:
.L_overlay_start_2:
0x188: {  	(tag) =	ssettag $0x2  }
0x189: {  	s0 =	rddreg [dreg:$0x0];
	s2 =	stileid.u32  }
0x18a: {  	s1 =	rddreg [dreg:$0x1];
	p0 =	sne.s32 s2, $0x0  }
0x18b: {  	s3 =	rddreg [dreg:$0x2];
	[bflag:$0x3] =	sbarrier.arrive $0xFFFF;
	s2 =	simm.s32 @!p0 $0x1C02  }
0x18c: {  	[timem:s3], [sflag:s2] =	dma.local @!p0 [hbm:s0], s1  }
0x18d: {  	s0 =	simm.s32 @!p0 $0x2  }
0x18e: {  	_ =	swait.ge @!p0 [sflag:s0], s1  }
0x18f: {  	s1 =	ssub.s32 @!p0 $0x0, s1;
	[sflag:s0] =	ssyncset.done @!p0 $0x0  }
0x190: {  	[sflag:s0] =	ssyncadd.s32 @!p0 s1  }
0x191: {  	[bflag:$0x3] =	sbarrier.arrive $0xFFFF  }
0x192: {  	_ =	shalt  }

// kernel: kernel.9.cloned.1.call-start
scs
__scs_entry_jumppad:
0x0: {  	(pc) =	sbr.rel $0x88, $3  }
0x1: {  	(tag) =	ssettag $0x0;
	lr =	simm.s32 $0x1  }
0x2: {  	[smem:$0x3F97] =	sst lr;
	_ =	strace $0xD0000000  }
0x3: {  	_ = 	snop  }
0x4: {  	_ = 	snop  }
0x5: {  	_ = 	snop  }
0x6: {  	_ = 	snop  }
0x7: {  	_ = 	snop  }
__scs_overlays_trampoline_lowered:
0x8: {  	[smem:$0x3FA6] =	sst s0  }
0x9: {  	[smem:$0x3FA7] =	sst s1  }
0xa: {  	[smem:$0x3FA8] =	sst s2  }
0xb: {  	[smem:$0x3FA9] =	sst s3  }
0xc: {  	[smem:$0x3FAA] =	sst s4  }
0xd: {  	[smem:$0x3FAB] =	sst s5  }
0xe: {  	[smem:$0x3FAC] =	sst s6  }
0xf: {  	[smem:$0x3FAD] =	sst s7  }
0x10: {  	[smem:$0x3FAE] =	sst s8  }
0x11: {  	[smem:$0x3FAF] =	sst s9;
	s0 =	simm.s32 @!p0 $0x0  }
0x12: {  	s1 =	sld [smem:$0x3F95];
	s0 =	simm.s32 @p0 $0x1  }
0x13: {  	[smem:$0x3FB0] =	sst s0;
	s0 =	simm.s32 @!p1 $0x0  }
0x14: {  	s2 =	sld [smem:$0x3F94];
	s0 =	simm.s32 @p1 $0x1  }
0x15: {  	[smem:$0x3FB1] =	sst s0;
	s0 =	simm.s32 @!p2 $0x0  }
0x16: {  	s3 =	sld [smem:$0x3FDB];
	s0 =	simm.s32 @p2 $0x1  }
0x17: {  	s4 =	simm.s32 $0x1BF5;
	[smem:$0x3FB3] =	sst s0  }
0x18: {  	s0 =	sld [smem:$0x3F96];
	_ =	swait.ge [sflag:s4], $0x0  }
0x19: {  	s7 =	sld [smem:$0x3F97]  }
0x1a: {  	s8 =	sadd.s32 $0xFFFFE003, lr  }
0x1b: {  	s9 =	sadd.s32 $0xFFFFFEF7, lr;
	s5 =	simm.s32 $0xFFFFFFFF;
	p2 =	slt.u32 s8, $0xFFFFF086  }
0x1c: {  	p1 =	slt.u32 s9, $0xF7A;
	s5 =	simm.s32 @!p2 $0x0  }
0x1d: {  	s5 =	simm.s32 @p1 $0x1;
	p0 =	seq.s32 s7, s2  }
0x1e: {  	s7 =	smul.u32 @!p0 $0xF7A, s2;
	p2 =	seq.s32 @!p0 s5, $0x0  }
0x1f: {  	s9 =	smul.u32 $0xF7A, s1;
	s8 =	simm.s32 @!p0 $0x1BF5;
	p2 =	por !p2, p0  }
0x20: {  	[sflag:s8] =	ssyncset.s32 @!p0 $0xFFFFF086;
	s6 =	sadd.s32 @!p0 s3, s7;
	s7 =	simm.s32 @!p0 $0x108  }
0x21: {  	s3 =	sadd.s32 s3, s9;
	s6 =	sadd.s32 @!p0 $0x88, s6;
	s7 =	simm.s32 @p2 $0x1082  }
0x22: {  	[simem:s7], [sflag:s8] =	dma.local @!p0 [hbm:s6], $0xF7A  }
0x23: {  	s9 =	sor.u32 $0xD0000000, s2;
	s6 =	simm.s32 $0x108;
	_ =	swait.ge @!p0 [sflag:s8], $0x0  }
0x24: {  	s3 =	sadd.s32 $0x88, s3;
	s6 =	simm.s32 @!p1 $0x1082;
	[sflag:s4] =	ssyncset.s32 $0xFFFFF086  }
0x25: {  	[simem:s6], [sflag:s4] =	dma.local [hbm:s3], $0xF7A  }
0x26: {  	[smem:$0x3F97] =	sst s1;
	(tag) =	ssettag s2;
	_ =	strace s9  }
0x27: {  	s1 =	sld [smem:$0x3FA7]  }
0x28: {  	s2 =	sld [smem:$0x3FA8]  }
0x29: {  	s4 =	sld [smem:$0x3FAA]  }
0x2a: {  	p0 =	seq.s32 s5, $0x0;
	s5 =	sld [smem:$0x3FAB]  }
0x2b: {  	s6 =	sld [smem:$0x3FAC]  }
0x2c: {  	s7 =	sld [smem:$0x3FAD]  }
0x2d: {  	s3 =	simm.s32 $0x108;
	s8 =	sld [smem:$0x3FAE]  }
0x2e: {  	s3 =	simm.s32 @!p0 $0x1082;
	s9 =	sld [smem:$0x3FAF]  }
0x2f: {  	lr =	sadd.s32 s0, s3;
	s0 =	sld [smem:$0x3FA6]  }
0x30: {  	s3 =	sld [smem:$0x3FA9]  }
0x31: {  	[smem:$0x3FB2] =	sst s10  }
0x32: {  	s10 =	sld [smem:$0x3FB0];
	_ =	sdelay $0x3  }
0x33: {  	p0 =	seq.s32 s10, $0x1;
	s10 =	sld [smem:$0x3FB2];
	_ =	sdelay $0x3  }
0x34: {  	[smem:$0x3FB2] =	sst s10  }
0x35: {  	s10 =	sld [smem:$0x3FB1];
	_ =	sdelay $0x3  }
0x36: {  	p1 =	seq.s32 s10, $0x1;
	s10 =	sld [smem:$0x3FB2];
	_ =	sdelay $0x3  }
0x37: {  	[smem:$0x3FB2] =	sst s10  }
0x38: {  	s10 =	sld [smem:$0x3FB3]  }
0x39: {  	_ = 	snop;
	(pc) =	sbr.ind lr, $3  }
0x3a: {  	_ = 	snop  }
0x3b: {  	_ = 	snop  }
0x3c: {  	p2 =	seq.s32 s10, $0x1;
	s10 =	sld [smem:$0x3FB2]  }
0x3d: {  	_ =	shalt  }
0x3e: {  	_ =	shalt  }
0x3f: {  	_ =	shalt  }
0x40: {  	_ =	shalt  }
0x41: {  	_ =	shalt  }
0x42: {  	_ =	shalt  }
0x43: {  	_ =	shalt  }
0x44: {  	_ =	shalt  }
0x45: {  	_ =	shalt  }
0x46: {  	_ =	shalt  }
0x47: {  	_ =	shalt  }
0x48: {  	_ =	shalt  }
0x49: {  	_ =	shalt  }
0x4a: {  	_ =	shalt  }
0x4b: {  	_ =	shalt  }
0x4c: {  	_ =	shalt  }
0x4d: {  	_ =	shalt  }
0x4e: {  	_ =	shalt  }
0x4f: {  	_ =	shalt  }
0x50: {  	_ =	shalt  }
0x51: {  	_ =	shalt  }
0x52: {  	_ =	shalt  }
0x53: {  	_ =	shalt  }
0x54: {  	_ =	shalt  }
0x55: {  	_ =	shalt  }
0x56: {  	_ =	shalt  }
0x57: {  	_ =	shalt  }
0x58: {  	_ =	shalt  }
0x59: {  	_ =	shalt  }
0x5a: {  	_ =	shalt  }
0x5b: {  	_ =	shalt  }
0x5c: {  	_ =	shalt  }
0x5d: {  	_ =	shalt  }
0x5e: {  	_ =	shalt  }
0x5f: {  	_ =	shalt  }
0x60: {  	_ =	shalt  }
0x61: {  	_ =	shalt  }
0x62: {  	_ =	shalt  }
0x63: {  	_ =	shalt  }
0x64: {  	_ =	shalt  }
0x65: {  	_ =	shalt  }
0x66: {  	_ =	shalt  }
0x67: {  	_ =	shalt  }
0x68: {  	_ =	shalt  }
0x69: {  	_ =	shalt  }
0x6a: {  	_ =	shalt  }
0x6b: {  	_ =	shalt  }
0x6c: {  	_ =	shalt  }
0x6d: {  	_ =	shalt  }
0x6e: {  	_ =	shalt  }
0x6f: {  	_ =	shalt  }
0x70: {  	_ =	shalt  }
0x71: {  	_ =	shalt  }
0x72: {  	_ =	shalt  }
0x73: {  	_ =	shalt  }
0x74: {  	_ =	shalt  }
0x75: {  	_ =	shalt  }
0x76: {  	_ =	shalt  }
0x77: {  	_ =	shalt  }
0x78: {  	_ =	shalt  }
0x79: {  	_ =	shalt  }
0x7a: {  	_ =	shalt  }
0x7b: {  	_ =	shalt  }
0x7c: {  	_ =	shalt  }
0x7d: {  	_ =	shalt  }
0x7e: {  	_ =	shalt  }
0x7f: {  	_ =	shalt  }
0x80: {  	_ =	shalt  }
0x81: {  	_ =	shalt  }
0x82: {  	_ =	shalt  }
0x83: {  	_ =	shalt  }
0x84: {  	_ =	shalt  }
0x85: {  	_ =	shalt  }
0x86: {  	_ =	shalt  }
0x87: {  	_ =	shalt  }
.Lfunc_end0:
.L_simem_size_0:
called_computation.1_lowered:
.L_overlay_start_0:
0x88: {  	s2 =	sld [smem:$0x3FD9]  }
0x89: {  	s3 =	sld [smem:$0x3FFE];
	_ =	sdelay $0x1  }
0x8a: {  	s1 =	srdreg.scid  }
0x8b: {  	s0 =	sand.u32 $0x1, s1  }
0x8c: {  	s16 =	sshll.u32 s0, $0xA;
	s2 =	sadd.s32 s3, s2  }
0x8d: {  	s2 =	sadd.s32 s2, s16  }
0x8e: {  	[smem:$0x3FBE] =	sst s2  }
0x8f: {  	_ = 	snop  }
0x90: {  	(tm) =	ssettm $0x1  }
0x91: {  	s17 =	sld [smem:$0x3FFB];
	_ =	sdelay $0x3  }
0x92: {  	_ =	strace s17  }
0x93: {  	s2 =	sld [smem:$0x3FFC];
	_ =	sdelay $0x3  }
0x94: {  	_ =	strace s2  }
0x95: {  	s2 =	sld [smem:$0x3FFD];
	_ =	sdelay $0x3  }
0x96: {  	_ =	strace s2  }
0x97: {  	_ =	strace $0x8FFFFFFF  }
0x98: {  	s18 =	sld [smem:$0x3FDB];
	_ =	sdelay $0x1  }
0x99: {  	s19 =	simm.s32 $_scs_section_size  }
0x9a: {  	s4 =	simm.s32 $_size__tile_overlayer_lowered;
	s5 =	simm.s32 $_tile_overlayer_lowered  }
0x9b: {  	s22 =	simm.s32 $0x1BFF;
	s21 =	sshll.u32 s5, $0x1;
	s2 =	sadd.s32 s19, s18  }
0x9c: {  	s6 =	simm.s32 $0x0;
	s20 =	sshll.u32 s4, $0x1;
	s4 =	sadd.s32 s21, s2  }
0x9d: {  	[timem:s6], [sflag:s22] =	dma.local [hbm:s4], s20  }
0x9e: {  	_ =	swait.ge [sflag:s22], s20  }
0x9f: {  	s3 =	ssub.s32 $0x0, s20;
	[sflag:s22] =	ssyncset.done $0x0  }
0xa0: {  	[sflag:s22] =	ssyncadd.s32 s3;
	_ =	sdelay $0x1  }
0xa1: {  	s23 =	simm.s32 $0x1B8B  }
0xa2: {  	_ =	swait.ge [sflag:s23], $0x1  }
0xa3: {  	[sflag:s23] =	ssyncset.done $0x0  }
0xa4: {  	s25 =	simm.s32 $0x1B8E;
	s24 =	sld [smem:$0x3FFE];
	[sflag:s23] =	ssyncadd.s32 $0xFFFFFFFF  }
0xa5: {  	s26 =	simm.s32 $execute0_lowered;
	[smem:$0x3FD2] =	sst s25  }
0xa6: {  	s4 =	sshll.u32 s26, $0x1;
	_ =	strace $0x80000049;
	[dreg:$0x1] =	wrdreg $0xFFFFFFFF  }
0xa7: {  	s28 =	simm.s32 $_size_execute0_lowered;
	s2 =	sadd.s32 s2, s4;
	[dreg:$0x0] =	wrdreg $0x0  }
0xa8: {  	s4 =	sshll.u32 s28, $0x1;
	[dreg:$0x2] =	wrdreg s2  }
0xa9: {  	[dreg:$0x3] =	wrdreg s4  }
0xaa: {  	[dreg:$0x4] =	wrdreg $0xC0  }
0xab: {  	_ =	task [dreg:s6], $0x5FFFF  }
0xac: {  	[dreg:$0x1] =	wrdreg $0xFFFFFFFF  }
0xad: {  	[dreg:$0x0] =	wrdreg $0x60  }
0xae: {  	[dreg:$0x2] =	wrdreg s24  }
0xaf: {  	[dreg:$0x3] =	wrdreg $0x60400  }
0xb0: {  	[dreg:$0x4] =	wrdreg $0x9  }
0xb1: {  	_ =	task.clear_ibuf [dreg:s6], $0x5FFFF;
	_ =	strace $0x90000049  }
0xb2: {  	s29 =	simm.s32 $0x9;
	_ =	strace $0x8000004B  }
0xb3: {  	_ =	swait.ge [sflag:s29], $0x1  }
0xb4: {  	[sflag:s29] =	ssyncadd.s32 $0xFFFFFFFF  }
0xb5: {  	_ =	strace $0x9000004B  }
0xb6: {  	_ =	sfence  }
0xb7: {  	s30 =	sld [smem:$0x0];
	_ =	sdelay $0x2  }
0xb8: {  	s31 =	sshll.u32 s1, $0xD;
	s1 =	sshrl.u32 s1, $0x2  }
0xb9: {  	s3 =	sand.u32 $0x4000, s31;
	s1 =	sadd.s32 s1, s30  }
0xba: {  	s0 =	sor.u32 s3, s0;
	s1 =	sshll.u32 s1, $0x11  }
0xbb: {  	s0 =	sor.u32 s1, s0  }
0xbc: {  	s0 =	sadd.s32 $0x8F2B, s0  }
0xbd: {  	[sflag:s0] =	ssyncadd.remote.s32 $0x1  }
0xbe: {  	_ =	sfence.sel $0xFFFF  }
0xbf: {  	[dreg:$0x0] =	wrdreg $0xFFFFFFFF;
	(pc) =	sbr.abs _section_cstart, $3  }
0xc0: {  	[dreg:$0x1] =	wrdreg $0xFFFFFFFF  }
0xc1: {  	_ =	task.clear_ibuf [dreg:s6], $0x2FFFF;
	_ =	strace $0x9FFFFFFF  }
0xc2: {  	(tm) =	ssettm $0x7FFFFFFF  }
0xc3: {  	_ =	shalt  }
tec
execute0_lowered:
.L_overlay_start_1:
0x0: {  	(tag) =	ssettag $0x1  }
0x1: {  	s0 =	srdreg.scid;
	s1 =	rddreg [dreg:$0x0]  }
0x2: {  	s8 =	stileid.u32;
	s2 =	rddreg [dreg:$0x1]  }
0x3: {  	s3 =	simm.s32 $0x0;
	s19 =	simm.s32 $0xA0;
	s20 =	simm.s32 $0xF0  }
0x4: {  	s21 =	simm.s32 $0x140;
	s22 =	simm.s32 $0x190;
	s23 =	simm.s32 $0x1E0  }
0x5: {  	s28 =	simm.s32 $0x1F40;
	s29 =	simm.s32 $0x2440;
	[smem:$0x7FF] =	sst s3  }
0x6: {  	s4 =	smul.u32 $0x61A80, s8;
	_ =	strace $0x8000004A;
	[dreg:$0x5] =	wrdreg s19  }
0x7: {  	s0 =	sand.u32 $0x1, s0;
	s24 =	smul.u32 $0x19000, s8;
	[dreg:$0x6] =	wrdreg s20  }
0x8: {  	s30 =	simm.s32 $0x2940;
	s5 =	smul.u32 $0x30D40, s0;
	[dreg:$0x7] =	wrdreg s21  }
0x9: {  	s6 =	smul.u32 $0x190000, s0;
	s0 =	ssub.s32 $0x2, s0;
	[dreg:$0x8] =	wrdreg s22  }
0xa: {  	[dreg:$0x9] =	wrdreg s23;
	s26 =	sshrl.u32 s0, $0x1;
	s4 =	sadd.s32 s5, s4  }
0xb: {  	s25 =	sadd.s32 s24, s6;
	s0 =	ssub.s32 s0, s26;
	s5 =	sadd.s32 s24, s2  }
0xc: {  	s24 =	simm.s32 $0x230;
	s4 =	sshrl.u32 s4, $0x3;
	s6 =	sshrl.u32 s25, $0x3  }
0xd: {  	s0 =	smax.u32 s0, $0x1;
	[dreg:$0xa] =	wrdreg s24;
	s25 =	simm.s32 $0x280  }
0xe: {  	s26 =	sshrl.u32 s5, $0x3;
	s7 =	sadd.s32 s4, s1;
	[dreg:$0xd] =	wrdreg s0  }
0xf: {  	s4 =	sadd.s32 $0x2E00, s1;
	s1 =	sadd.s32 s6, s1;
	[dreg:$0xb] =	wrdreg s25  }
0x10: {  	s8 =	smul.u32 $0x64000, s8;
	[dreg:$0x18] =	wrdreg s26;
	s1 =	sadd.s32 $0xF8400, s1  }
0x11: {  	s31 =	simm.s32 $0x2E40;
	s17 =	sadd.s32 $0x34E00, s7;
	[dreg:$0xc] =	wrdreg s1  }
0x12: {  	s8 =	sshrl.u32 s8, $0x2;
	s18 =	sadd.s32 $0x319800, s7;
	[dreg:$0x3] =	wrdreg s17  }
0x13: {  	s19 =	simm.s32 $0x320;
	s1 =	sadd.s32 s8, s2;
	[dreg:$0x4] =	wrdreg s18  }
0x14: {  	s20 =	simm.s32 $0x50;
	s9 =	sadd.s32 $0x2800, s1;
	[dreg:$0xe] =	wrdreg s1  }
0x15: {  	s21 =	simm.s32 $0x640;
	s10 =	sadd.s32 $0x5000, s1;
	[dreg:$0xf] =	wrdreg s9  }
0x16: {  	s22 =	simm.s32 $0xB40;
	s11 =	sadd.s32 $0x7800, s1;
	[dreg:$0x10] =	wrdreg s10  }
0x17: {  	s23 =	simm.s32 $0x1040;
	s12 =	sadd.s32 $0xA000, s1;
	[dreg:$0x11] =	wrdreg s11  }
0x18: {  	s24 =	simm.s32 $0x1540;
	s13 =	sadd.s32 $0xC800, s1;
	[dreg:$0x12] =	wrdreg s12  }
0x19: {  	s5 =	simm.s32 $0x1;
	s14 =	sadd.s32 $0xF000, s1;
	[dreg:$0x13] =	wrdreg s13  }
0x1a: {  	s26 =	simm.s32 $0x1A40;
	s15 =	sadd.s32 $0x11800, s1;
	[dreg:$0x14] =	wrdreg s14  }
0x1b: {  	s0 =	simm.s32 $0x3340;
	s16 =	sadd.s32 $0x14000, s1;
	[dreg:$0x15] =	wrdreg s15  }
0x1c: {  	s6 =	simm.s32 $0x370;
	s1 =	sadd.s32 $0x16800, s1;
	[dreg:$0x16] =	wrdreg s16  }
0x1d: {  	s18 =	simm.s32 $0x2;
	s8 =	simm.s32 $0x3C0;
	[dreg:$0x17] =	wrdreg s1  }
0x1e: {  	s1 =	simm.s32 $0x2D0;
	s9 =	simm.s32 $0x410;
	s10 =	simm.s32 $0x460  }
0x1f: {  	s11 =	simm.s32 $0x4B0;
	s12 =	simm.s32 $0x500;
	s13 =	simm.s32 $0x550  }
0x20: {  	v0 =	vimm.f32 $0.0e+00;
	s14 =	simm.s32 $0x5A0;
	s15 =	simm.s32 $0x5F0;
	s16 =	simm.s32 $0x0  }
.LBB2_1:
0x21: {  	[dreg:$0x19] =	wrdreg s16;
	s7 =	simm.s32 $0x40;
	s17 =	simm.s32 $0x0  }
.LBB2_2:
0x22: {  	p0 =	sne.s32 s7, $0x9FC0;
	[tilespmem:s17+$0x3840] =	vst v0;
	s17 =	smov.u32 s7;
	s7 =	sadd.s32 $0x40, s7  }
.Ltmp0:
0x23: {  	(pc) =	sbr.rel @p0 .LBB2_2-.Ltmp0, $2  }
0x24: {  	_ =	sdelay $0x2  }
0x25: {  	s17 =	sshra.s32 s17, $0x2  }
0x26: {  	[tilespmem:s17+$0x3840] =	vst v0;
	s7 =	rddreg [dreg:$0xe];
	s16 =	simm.s32 $0x3840  }
0x27: {  	[spmem:s7] =	stream.linear.scatter [tilespmem:s16], [sflag:$0x2], $0x2800, $0x38;
	[tilespmem:$0x1F040] =	vst v63  }
0x28: {  	_ =	swait.ge [sflag:s18], $0x2800  }
0x29: {  	[sflag:s18] =	ssyncset.done $0x0  }
0x2a: {  	s25 =	rddreg [dreg:$0xf];
	[sflag:s18] =	ssyncadd.s32 $0xFFFFD800  }
0x2b: {  	[spmem:s25] =	stream.linear.scatter [tilespmem:s16], [sflag:$0x2], $0x2800, $0x38;
	[tilespmem:$0x1F040] =	vst v63  }
0x2c: {  	_ =	swait.ge [sflag:s18], $0x2800  }
0x2d: {  	[sflag:s18] =	ssyncset.done $0x0  }
0x2e: {  	s17 =	rddreg [dreg:$0x10];
	[sflag:s18] =	ssyncadd.s32 $0xFFFFD800  }
0x2f: {  	[spmem:s17] =	stream.linear.scatter [tilespmem:s16], [sflag:$0x2], $0x2800, $0x38;
	[tilespmem:$0x1F040] =	vst v63  }
0x30: {  	_ =	swait.ge [sflag:s18], $0x2800  }
0x31: {  	[sflag:s18] =	ssyncset.done $0x0  }
0x32: {  	s25 =	rddreg [dreg:$0x11];
	[sflag:s18] =	ssyncadd.s32 $0xFFFFD800  }
0x33: {  	[spmem:s25] =	stream.linear.scatter [tilespmem:s16], [sflag:$0x2], $0x2800, $0x38;
	[tilespmem:$0x1F040] =	vst v63  }
0x34: {  	_ =	swait.ge [sflag:s18], $0x2800  }
0x35: {  	[sflag:s18] =	ssyncset.done $0x0  }
0x36: {  	s17 =	rddreg [dreg:$0x12];
	[sflag:s18] =	ssyncadd.s32 $0xFFFFD800  }
0x37: {  	[spmem:s17] =	stream.linear.scatter [tilespmem:s16], [sflag:$0x2], $0x2800, $0x38;
	[tilespmem:$0x1F040] =	vst v63  }
0x38: {  	_ =	swait.ge [sflag:s18], $0x2800  }
0x39: {  	[sflag:s18] =	ssyncset.done $0x0  }
0x3a: {  	s25 =	rddreg [dreg:$0x13];
	[sflag:s18] =	ssyncadd.s32 $0xFFFFD800  }
0x3b: {  	[spmem:s25] =	stream.linear.scatter [tilespmem:s16], [sflag:$0x2], $0x2800, $0x38;
	[tilespmem:$0x1F040] =	vst v63  }
0x3c: {  	_ =	swait.ge [sflag:s18], $0x2800  }
0x3d: {  	[sflag:s18] =	ssyncset.done $0x0  }
0x3e: {  	s17 =	rddreg [dreg:$0x14];
	[sflag:s18] =	ssyncadd.s32 $0xFFFFD800  }
0x3f: {  	[spmem:s17] =	stream.linear.scatter [tilespmem:s16], [sflag:$0x2], $0x2800, $0x38;
	[tilespmem:$0x1F040] =	vst v63  }
0x40: {  	_ =	swait.ge [sflag:s18], $0x2800  }
0x41: {  	[sflag:s18] =	ssyncset.done $0x0  }
0x42: {  	s25 =	rddreg [dreg:$0x15];
	[sflag:s18] =	ssyncadd.s32 $0xFFFFD800  }
0x43: {  	[spmem:s25] =	stream.linear.scatter [tilespmem:s16], [sflag:$0x2], $0x2800, $0x38;
	[tilespmem:$0x1F040] =	vst v63  }
0x44: {  	_ =	swait.ge [sflag:s18], $0x2800  }
0x45: {  	[sflag:s18] =	ssyncset.done $0x0  }
0x46: {  	s17 =	rddreg [dreg:$0x16];
	[sflag:s18] =	ssyncadd.s32 $0xFFFFD800  }
0x47: {  	[spmem:s17] =	stream.linear.scatter [tilespmem:s16], [sflag:$0x2], $0x2800, $0x38;
	[tilespmem:$0x1F040] =	vst v63  }
0x48: {  	_ =	swait.ge [sflag:s18], $0x2800  }
0x49: {  	[sflag:s18] =	ssyncset.done $0x0  }
0x4a: {  	s25 =	rddreg [dreg:$0x17];
	[sflag:s18] =	ssyncadd.s32 $0xFFFFD800  }
0x4b: {  	[spmem:s25] =	stream.linear.scatter [tilespmem:s16], [sflag:$0x2], $0x2800, $0x38;
	[tilespmem:$0x1F040] =	vst v63  }
0x4c: {  	_ =	swait.ge [sflag:s18], $0x2800  }
0x4d: {  	[sflag:s18] =	ssyncset.done $0x0  }
0x4e: {  	[sflag:s18] =	ssyncadd.s32 $0xFFFFD800  }
0x4f: {  	[bflag:$0x0] =	sbarrier.arrive $0xFFFF  }
0x50: {  	s16 =	rddreg [dreg:$0x4]  }
0x51: {  	s7 =	sadd.s32 $0x0, s16  }
0x52: {  	[tilespmem:s3], [sflag:$0x2] =	stream.linear.gather [hbm4b:s7+s3], $0x320, $0x38;
	[tilespmem:$0x1F040] =	vst v63  }
0x53: {  	_ =	swait.ge [sflag:s18], $0x320  }
0x54: {  	s17 =	rddreg [dreg:$0x3];
	[sflag:s18] =	ssyncset.done $0x0  }
0x55: {  	[sflag:s18] =	ssyncadd.s32 $0xFFFFFCE0;
	s7 =	sadd.s32 $0x0, s17  }
0x56: {  	[tilespmem:s19], [sflag:$0x2] =	stream.linear.gather [hbm4b:s7+s3], $0x320, $0x38;
	[tilespmem:$0x1F040] =	vst v63  }
0x57: {  	_ =	swait.ge [sflag:s18], $0x320  }
0x58: {  	[sflag:s18] =	ssyncset.done $0x0  }
0x59: {  	[sflag:s18] =	ssyncadd.s32 $0xFFFFFCE0  }
0x5a: {  	[tilespmem:s21], [sflag:$0x1] =	stream.indirect.gather [hbm4b:s4+s20], $0x10, s3, s20, $0xb8;
	[tilespmem:$0x1F040] =	vst v63  }
0x5b: {  	_ = 	snop  }
0x5c: {  	[tilespmem:s22], [sflag:$0x1] =	stream.indirect.gather [hbm4b:s4+s20], $0x10, s20, s20, $0xb8;
	[tilespmem:$0x1F040] =	vst v63  }
0x5d: {  	s25 =	rddreg [dreg:$0x5]  }
0x5e: {  	[tilespmem:s23], [sflag:$0x1] =	stream.indirect.gather [hbm4b:s4+s20], $0x10, s25, s20, $0xb8;
	[tilespmem:$0x1F040] =	vst v63  }
0x5f: {  	s16 =	rddreg [dreg:$0x6]  }
0x60: {  	[tilespmem:s24], [sflag:$0x1] =	stream.indirect.gather [hbm4b:s4+s20], $0x10, s16, s20, $0xb8;
	[tilespmem:$0x1F040] =	vst v63  }
0x61: {  	s25 =	rddreg [dreg:$0x7]  }
0x62: {  	[tilespmem:s26], [sflag:$0x1] =	stream.indirect.gather [hbm4b:s4+s20], $0x10, s25, s20, $0xb8;
	[tilespmem:$0x1F040] =	vst v63  }
0x63: {  	s16 =	rddreg [dreg:$0x8]  }
0x64: {  	[tilespmem:s28], [sflag:$0x1] =	stream.indirect.gather [hbm4b:s4+s20], $0x10, s16, s20, $0xb8;
	[tilespmem:$0x1F040] =	vst v63  }
0x65: {  	s25 =	rddreg [dreg:$0x9]  }
0x66: {  	[tilespmem:s29], [sflag:$0x1] =	stream.indirect.gather [hbm4b:s4+s20], $0x10, s25, s20, $0xb8;
	[tilespmem:$0x1F040] =	vst v63  }
0x67: {  	s16 =	rddreg [dreg:$0xa]  }
0x68: {  	[tilespmem:s30], [sflag:$0x1] =	stream.indirect.gather [hbm4b:s4+s20], $0x10, s16, s20, $0xb8;
	[tilespmem:$0x1F040] =	vst v63  }
0x69: {  	s25 =	rddreg [dreg:$0xb]  }
0x6a: {  	[tilespmem:s31], [sflag:$0x1] =	stream.indirect.gather [hbm4b:s4+s20], $0x10, s25, s20, $0xb8;
	[tilespmem:$0x1F040] =	vst v63  }
0x6b: {  	_ = 	snop  }
0x6c: {  	[tilespmem:s0], [sflag:$0x1] =	stream.indirect.gather [hbm4b:s4+s20], $0x10, s1, s20, $0xb8;
	[tilespmem:$0x1F040] =	vst v63  }
0x6d: {  	_ =	swait.ge [sflag:s5], $0x500  }
0x6e: {  	[sflag:s5] =	ssyncset.done $0x0  }
0x6f: {  	[sflag:s5] =	ssyncadd.s32 $0xFFFFFB00  }
0x70: {  	_ =	swait.ge [sflag:s5], $0x500  }
0x71: {  	[sflag:s5] =	ssyncset.done $0x0  }
0x72: {  	[sflag:s5] =	ssyncadd.s32 $0xFFFFFB00  }
0x73: {  	_ =	swait.ge [sflag:s5], $0x500  }
0x74: {  	[sflag:s5] =	ssyncset.done $0x0  }
0x75: {  	[sflag:s5] =	ssyncadd.s32 $0xFFFFFB00  }
0x76: {  	_ =	swait.ge [sflag:s5], $0x500  }
0x77: {  	[sflag:s5] =	ssyncset.done $0x0  }
0x78: {  	[sflag:s5] =	ssyncadd.s32 $0xFFFFFB00  }
0x79: {  	_ =	swait.ge [sflag:s5], $0x500  }
0x7a: {  	[sflag:s5] =	ssyncset.done $0x0  }
0x7b: {  	[sflag:s5] =	ssyncadd.s32 $0xFFFFFB00  }
0x7c: {  	_ =	swait.ge [sflag:s5], $0x500  }
0x7d: {  	[sflag:s5] =	ssyncset.done $0x0  }
0x7e: {  	[sflag:s5] =	ssyncadd.s32 $0xFFFFFB00  }
0x7f: {  	_ =	swait.ge [sflag:s5], $0x500  }
0x80: {  	[sflag:s5] =	ssyncset.done $0x0  }
0x81: {  	[sflag:s5] =	ssyncadd.s32 $0xFFFFFB00  }
0x82: {  	_ =	swait.ge [sflag:s5], $0x500  }
0x83: {  	[sflag:s5] =	ssyncset.done $0x0  }
0x84: {  	[sflag:s5] =	ssyncadd.s32 $0xFFFFFB00  }
0x85: {  	_ =	swait.ge [sflag:s5], $0x500  }
0x86: {  	[sflag:s5] =	ssyncset.done $0x0  }
0x87: {  	[sflag:s5] =	ssyncadd.s32 $0xFFFFFB00  }
0x88: {  	_ =	swait.ge [sflag:s5], $0x500  }
0x89: {  	[sflag:s5] =	ssyncset.done $0x0  }
0x8a: {  	[sflag:s5] =	ssyncadd.s32 $0xFFFFFB00  }
0x8b: {  	[spmem:s2] =	stream.indirect.scatter.add.f32 [tilespmem:s21], [sflag:$0x2], $0x10, s19, s20, $0xb8;
	[tilespmem:$0x1F040] =	vst v63  }
0x8c: {  	_ =	swait.ge [sflag:s18], $0x500  }
0x8d: {  	[sflag:s18] =	ssyncset.done $0x0  }
0x8e: {  	[sflag:s18] =	ssyncadd.s32 $0xFFFFFB00  }
0x8f: {  	[spmem:s2] =	stream.indirect.scatter.add.f32 [tilespmem:s22], [sflag:$0x2], $0x10, s6, s20, $0xb8;
	[tilespmem:$0x1F040] =	vst v63  }
0x90: {  	_ =	swait.ge [sflag:s18], $0x500  }
0x91: {  	[sflag:s18] =	ssyncset.done $0x0  }
0x92: {  	[sflag:s18] =	ssyncadd.s32 $0xFFFFFB00  }
0x93: {  	[spmem:s2] =	stream.indirect.scatter.add.f32 [tilespmem:s23], [sflag:$0x2], $0x10, s8, s20, $0xb8;
	[tilespmem:$0x1F040] =	vst v63  }
0x94: {  	_ =	swait.ge [sflag:s18], $0x500  }
0x95: {  	[sflag:s18] =	ssyncset.done $0x0  }
0x96: {  	[sflag:s18] =	ssyncadd.s32 $0xFFFFFB00  }
0x97: {  	[spmem:s2] =	stream.indirect.scatter.add.f32 [tilespmem:s24], [sflag:$0x2], $0x10, s9, s20, $0xb8;
	[tilespmem:$0x1F040] =	vst v63  }
0x98: {  	_ =	swait.ge [sflag:s18], $0x500  }
0x99: {  	[sflag:s18] =	ssyncset.done $0x0  }
0x9a: {  	[sflag:s18] =	ssyncadd.s32 $0xFFFFFB00  }
0x9b: {  	[spmem:s2] =	stream.indirect.scatter.add.f32 [tilespmem:s26], [sflag:$0x2], $0x10, s10, s20, $0xb8;
	[tilespmem:$0x1F040] =	vst v63  }
0x9c: {  	_ =	swait.ge [sflag:s18], $0x500  }
0x9d: {  	[sflag:s18] =	ssyncset.done $0x0  }
0x9e: {  	[sflag:s18] =	ssyncadd.s32 $0xFFFFFB00  }
0x9f: {  	[spmem:s2] =	stream.indirect.scatter.add.f32 [tilespmem:s28], [sflag:$0x2], $0x10, s11, s20, $0xb8;
	[tilespmem:$0x1F040] =	vst v63  }
0xa0: {  	_ =	swait.ge [sflag:s18], $0x500  }
0xa1: {  	[sflag:s18] =	ssyncset.done $0x0  }
0xa2: {  	[sflag:s18] =	ssyncadd.s32 $0xFFFFFB00  }
0xa3: {  	[spmem:s2] =	stream.indirect.scatter.add.f32 [tilespmem:s29], [sflag:$0x2], $0x10, s12, s20, $0xb8;
	[tilespmem:$0x1F040] =	vst v63  }
0xa4: {  	_ =	swait.ge [sflag:s18], $0x500  }
0xa5: {  	[sflag:s18] =	ssyncset.done $0x0  }
0xa6: {  	[sflag:s18] =	ssyncadd.s32 $0xFFFFFB00  }
0xa7: {  	[spmem:s2] =	stream.indirect.scatter.add.f32 [tilespmem:s30], [sflag:$0x2], $0x10, s13, s20, $0xb8;
	[tilespmem:$0x1F040] =	vst v63  }
0xa8: {  	_ =	swait.ge [sflag:s18], $0x500  }
0xa9: {  	[sflag:s18] =	ssyncset.done $0x0  }
0xaa: {  	[sflag:s18] =	ssyncadd.s32 $0xFFFFFB00  }
0xab: {  	[spmem:s2] =	stream.indirect.scatter.add.f32 [tilespmem:s31], [sflag:$0x2], $0x10, s14, s20, $0xb8;
	[tilespmem:$0x1F040] =	vst v63  }
0xac: {  	_ =	swait.ge [sflag:s18], $0x500  }
0xad: {  	[sflag:s18] =	ssyncset.done $0x0  }
0xae: {  	[sflag:s18] =	ssyncadd.s32 $0xFFFFFB00  }
0xaf: {  	[spmem:s2] =	stream.indirect.scatter.add.f32 [tilespmem:s0], [sflag:$0x2], $0x10, s15, s20, $0xb8;
	[tilespmem:$0x1F040] =	vst v63  }
0xb0: {  	s7 =	simm.s32 $0xC8;
	_ =	swait.ge [sflag:s18], $0x500  }
0xb1: {  	s25 =	simm.s32 $0x64;
	s17 =	rddreg [dreg:$0x4];
	[sflag:s18] =	ssyncset.done $0x0  }
.LBB2_4:
0xb2: {  	[sflag:s18] =	ssyncadd.s32 $0xFFFFFB00;
	s17 =	sadd.s32 s25, s17  }
0xb3: {  	[tilespmem:s3], [sflag:$0x2] =	stream.linear.gather [hbm4b:s17+s3], $0x320, $0x38;
	[tilespmem:$0x1F040] =	vst v63  }
0xb4: {  	_ =	swait.ge [sflag:s18], $0x320  }
0xb5: {  	s17 =	rddreg [dreg:$0x3];
	[sflag:s18] =	ssyncset.done $0x0  }
0xb6: {  	[sflag:s18] =	ssyncadd.s32 $0xFFFFFCE0;
	s17 =	sadd.s32 s25, s17  }
0xb7: {  	[tilespmem:s19], [sflag:$0x2] =	stream.linear.gather [hbm4b:s17+s3], $0x320, $0x38;
	[tilespmem:$0x1F040] =	vst v63  }
0xb8: {  	_ =	swait.ge [sflag:s18], $0x320  }
0xb9: {  	[sflag:s18] =	ssyncset.done $0x0  }
0xba: {  	[sflag:s18] =	ssyncadd.s32 $0xFFFFFCE0  }
0xbb: {  	[tilespmem:s21], [sflag:$0x1] =	stream.indirect.gather [hbm4b:s4+s20], $0x10, s3, s20, $0xb8;
	[tilespmem:$0x1F040] =	vst v63  }
0xbc: {  	s16 =	smov.u32 s7  }
0xbd: {  	[tilespmem:s22], [sflag:$0x1] =	stream.indirect.gather [hbm4b:s4+s20], $0x10, s20, s20, $0xb8;
	[tilespmem:$0x1F040] =	vst v63  }
0xbe: {  	s25 =	smov.u32 s16;
	s16 =	rddreg [dreg:$0x5]  }
0xbf: {  	[tilespmem:s23], [sflag:$0x1] =	stream.indirect.gather [hbm4b:s4+s20], $0x10, s16, s20, $0xb8;
	[tilespmem:$0x1F040] =	vst v63  }
0xc0: {  	s17 =	rddreg [dreg:$0x6]  }
0xc1: {  	[tilespmem:s24], [sflag:$0x1] =	stream.indirect.gather [hbm4b:s4+s20], $0x10, s17, s20, $0xb8;
	[tilespmem:$0x1F040] =	vst v63  }
0xc2: {  	s16 =	rddreg [dreg:$0x7]  }
0xc3: {  	[tilespmem:s26], [sflag:$0x1] =	stream.indirect.gather [hbm4b:s4+s20], $0x10, s16, s20, $0xb8;
	[tilespmem:$0x1F040] =	vst v63  }
0xc4: {  	s17 =	rddreg [dreg:$0x8]  }
0xc5: {  	[tilespmem:s28], [sflag:$0x1] =	stream.indirect.gather [hbm4b:s4+s20], $0x10, s17, s20, $0xb8;
	[tilespmem:$0x1F040] =	vst v63  }
0xc6: {  	s16 =	rddreg [dreg:$0x9]  }
0xc7: {  	[tilespmem:s29], [sflag:$0x1] =	stream.indirect.gather [hbm4b:s4+s20], $0x10, s16, s20, $0xb8;
	[tilespmem:$0x1F040] =	vst v63  }
0xc8: {  	s17 =	rddreg [dreg:$0xa]  }
0xc9: {  	[tilespmem:s30], [sflag:$0x1] =	stream.indirect.gather [hbm4b:s4+s20], $0x10, s17, s20, $0xb8;
	[tilespmem:$0x1F040] =	vst v63  }
0xca: {  	s16 =	rddreg [dreg:$0xb]  }
0xcb: {  	[tilespmem:s31], [sflag:$0x1] =	stream.indirect.gather [hbm4b:s4+s20], $0x10, s16, s20, $0xb8;
	[tilespmem:$0x1F040] =	vst v63  }
0xcc: {  	_ = 	snop  }
0xcd: {  	[tilespmem:s0], [sflag:$0x1] =	stream.indirect.gather [hbm4b:s4+s20], $0x10, s1, s20, $0xb8;
	[tilespmem:$0x1F040] =	vst v63  }
0xce: {  	_ =	swait.ge [sflag:s5], $0x500  }
0xcf: {  	[sflag:s5] =	ssyncset.done $0x0  }
0xd0: {  	[sflag:s5] =	ssyncadd.s32 $0xFFFFFB00  }
0xd1: {  	_ =	swait.ge [sflag:s5], $0x500  }
0xd2: {  	[sflag:s5] =	ssyncset.done $0x0  }
0xd3: {  	[sflag:s5] =	ssyncadd.s32 $0xFFFFFB00  }
0xd4: {  	_ =	swait.ge [sflag:s5], $0x500  }
0xd5: {  	[sflag:s5] =	ssyncset.done $0x0  }
0xd6: {  	[sflag:s5] =	ssyncadd.s32 $0xFFFFFB00  }
0xd7: {  	_ =	swait.ge [sflag:s5], $0x500  }
0xd8: {  	[sflag:s5] =	ssyncset.done $0x0  }
0xd9: {  	[sflag:s5] =	ssyncadd.s32 $0xFFFFFB00  }
0xda: {  	_ =	swait.ge [sflag:s5], $0x500  }
0xdb: {  	[sflag:s5] =	ssyncset.done $0x0  }
0xdc: {  	[sflag:s5] =	ssyncadd.s32 $0xFFFFFB00  }
0xdd: {  	_ =	swait.ge [sflag:s5], $0x500  }
0xde: {  	[sflag:s5] =	ssyncset.done $0x0  }
0xdf: {  	[sflag:s5] =	ssyncadd.s32 $0xFFFFFB00  }
0xe0: {  	_ =	swait.ge [sflag:s5], $0x500  }
0xe1: {  	[sflag:s5] =	ssyncset.done $0x0  }
0xe2: {  	[sflag:s5] =	ssyncadd.s32 $0xFFFFFB00  }
0xe3: {  	_ =	swait.ge [sflag:s5], $0x500  }
0xe4: {  	[sflag:s5] =	ssyncset.done $0x0  }
0xe5: {  	[sflag:s5] =	ssyncadd.s32 $0xFFFFFB00  }
0xe6: {  	_ =	swait.ge [sflag:s5], $0x500  }
0xe7: {  	[sflag:s5] =	ssyncset.done $0x0  }
0xe8: {  	[sflag:s5] =	ssyncadd.s32 $0xFFFFFB00  }
0xe9: {  	_ =	swait.ge [sflag:s5], $0x500  }
0xea: {  	[sflag:s5] =	ssyncset.done $0x0  }
0xeb: {  	[sflag:s5] =	ssyncadd.s32 $0xFFFFFB00  }
0xec: {  	[spmem:s2] =	stream.indirect.scatter.add.f32 [tilespmem:s21], [sflag:$0x2], $0x10, s19, s20, $0xb8;
	[tilespmem:$0x1F040] =	vst v63  }
0xed: {  	_ =	swait.ge [sflag:s18], $0x500  }
0xee: {  	[sflag:s18] =	ssyncset.done $0x0  }
0xef: {  	[sflag:s18] =	ssyncadd.s32 $0xFFFFFB00  }
0xf0: {  	[spmem:s2] =	stream.indirect.scatter.add.f32 [tilespmem:s22], [sflag:$0x2], $0x10, s6, s20, $0xb8;
	[tilespmem:$0x1F040] =	vst v63  }
0xf1: {  	_ =	swait.ge [sflag:s18], $0x500  }
0xf2: {  	[sflag:s18] =	ssyncset.done $0x0  }
0xf3: {  	[sflag:s18] =	ssyncadd.s32 $0xFFFFFB00  }
0xf4: {  	[spmem:s2] =	stream.indirect.scatter.add.f32 [tilespmem:s23], [sflag:$0x2], $0x10, s8, s20, $0xb8;
	[tilespmem:$0x1F040] =	vst v63  }
0xf5: {  	_ =	swait.ge [sflag:s18], $0x500  }
0xf6: {  	[sflag:s18] =	ssyncset.done $0x0  }
0xf7: {  	[sflag:s18] =	ssyncadd.s32 $0xFFFFFB00  }
0xf8: {  	[spmem:s2] =	stream.indirect.scatter.add.f32 [tilespmem:s24], [sflag:$0x2], $0x10, s9, s20, $0xb8;
	[tilespmem:$0x1F040] =	vst v63  }
0xf9: {  	_ =	swait.ge [sflag:s18], $0x500  }
0xfa: {  	[sflag:s18] =	ssyncset.done $0x0  }
0xfb: {  	[sflag:s18] =	ssyncadd.s32 $0xFFFFFB00  }
0xfc: {  	[spmem:s2] =	stream.indirect.scatter.add.f32 [tilespmem:s26], [sflag:$0x2], $0x10, s10, s20, $0xb8;
	[tilespmem:$0x1F040] =	vst v63  }
0xfd: {  	_ =	swait.ge [sflag:s18], $0x500  }
0xfe: {  	[sflag:s18] =	ssyncset.done $0x0  }
0xff: {  	[sflag:s18] =	ssyncadd.s32 $0xFFFFFB00  }
0x100: {  	[spmem:s2] =	stream.indirect.scatter.add.f32 [tilespmem:s28], [sflag:$0x2], $0x10, s11, s20, $0xb8;
	[tilespmem:$0x1F040] =	vst v63  }
0x101: {  	_ =	swait.ge [sflag:s18], $0x500  }
0x102: {  	[sflag:s18] =	ssyncset.done $0x0  }
0x103: {  	[sflag:s18] =	ssyncadd.s32 $0xFFFFFB00  }
0x104: {  	[spmem:s2] =	stream.indirect.scatter.add.f32 [tilespmem:s29], [sflag:$0x2], $0x10, s12, s20, $0xb8;
	[tilespmem:$0x1F040] =	vst v63  }
0x105: {  	_ =	swait.ge [sflag:s18], $0x500  }
0x106: {  	[sflag:s18] =	ssyncset.done $0x0  }
0x107: {  	[sflag:s18] =	ssyncadd.s32 $0xFFFFFB00  }
0x108: {  	[spmem:s2] =	stream.indirect.scatter.add.f32 [tilespmem:s30], [sflag:$0x2], $0x10, s13, s20, $0xb8;
	[tilespmem:$0x1F040] =	vst v63  }
0x109: {  	_ =	swait.ge [sflag:s18], $0x500  }
0x10a: {  	[sflag:s18] =	ssyncset.done $0x0  }
0x10b: {  	[sflag:s18] =	ssyncadd.s32 $0xFFFFFB00  }
0x10c: {  	[spmem:s2] =	stream.indirect.scatter.add.f32 [tilespmem:s31], [sflag:$0x2], $0x10, s14, s20, $0xb8;
	[tilespmem:$0x1F040] =	vst v63  }
0x10d: {  	p0 =	sne.s32 s7, $0x6144;
	_ =	swait.ge [sflag:s18], $0x500  }
.Ltmp1:
0x10e: {  	[sflag:s18] =	ssyncset.done $0x0;
	(pc) =	sbr.rel @p0 .LBB2_4-.Ltmp1, $4  }
0x10f: {  	[sflag:s18] =	ssyncadd.s32 $0xFFFFFB00  }
0x110: {  	[spmem:s2] =	stream.indirect.scatter.add.f32 [tilespmem:s0], [sflag:$0x2], $0x10, s15, s20, $0xb8;
	[tilespmem:$0x1F040] =	vst v63  }
0x111: {  	_ =	swait.ge [sflag:s18], $0x500  }
0x112: {  	s7 =	sadd.s32 $0x64, s7;
	s17 =	rddreg [dreg:$0x4];
	[sflag:s18] =	ssyncset.done $0x0  }
0x113: {  	[sflag:s18] =	ssyncadd.s32 $0xFFFFFB00;
	s7 =	sadd.s32 s25, s17  }
0x114: {  	[tilespmem:s3], [sflag:$0x2] =	stream.linear.gather [hbm4b:s7+s3], $0x320, $0x38;
	[tilespmem:$0x1F040] =	vst v63  }
0x115: {  	_ =	swait.ge [sflag:s18], $0x320  }
0x116: {  	s16 =	rddreg [dreg:$0x3];
	[sflag:s18] =	ssyncset.done $0x0  }
0x117: {  	[sflag:s18] =	ssyncadd.s32 $0xFFFFFCE0;
	s7 =	sadd.s32 s25, s16  }
0x118: {  	[tilespmem:s19], [sflag:$0x2] =	stream.linear.gather [hbm4b:s7+s3], $0x320, $0x38;
	[tilespmem:$0x1F040] =	vst v63  }
0x119: {  	_ =	swait.ge [sflag:s18], $0x320  }
0x11a: {  	[sflag:s18] =	ssyncset.done $0x0  }
0x11b: {  	[sflag:s18] =	ssyncadd.s32 $0xFFFFFCE0  }
0x11c: {  	[tilespmem:s21], [sflag:$0x1] =	stream.indirect.gather [hbm4b:s4+s20], $0x10, s3, s20, $0xb8;
	[tilespmem:$0x1F040] =	vst v63  }
0x11d: {  	_ = 	snop  }
0x11e: {  	[tilespmem:s22], [sflag:$0x1] =	stream.indirect.gather [hbm4b:s4+s20], $0x10, s20, s20, $0xb8;
	[tilespmem:$0x1F040] =	vst v63  }
0x11f: {  	s17 =	rddreg [dreg:$0x5]  }
0x120: {  	[tilespmem:s23], [sflag:$0x1] =	stream.indirect.gather [hbm4b:s4+s20], $0x10, s17, s20, $0xb8;
	[tilespmem:$0x1F040] =	vst v63  }
0x121: {  	s16 =	rddreg [dreg:$0x6]  }
0x122: {  	[tilespmem:s24], [sflag:$0x1] =	stream.indirect.gather [hbm4b:s4+s20], $0x10, s16, s20, $0xb8;
	[tilespmem:$0x1F040] =	vst v63  }
0x123: {  	s25 =	rddreg [dreg:$0x7]  }
0x124: {  	[tilespmem:s26], [sflag:$0x1] =	stream.indirect.gather [hbm4b:s4+s20], $0x10, s25, s20, $0xb8;
	[tilespmem:$0x1F040] =	vst v63  }
0x125: {  	s17 =	rddreg [dreg:$0x8]  }
0x126: {  	[tilespmem:s28], [sflag:$0x1] =	stream.indirect.gather [hbm4b:s4+s20], $0x10, s17, s20, $0xb8;
	[tilespmem:$0x1F040] =	vst v63  }
0x127: {  	s25 =	rddreg [dreg:$0x9]  }
0x128: {  	[tilespmem:s29], [sflag:$0x1] =	stream.indirect.gather [hbm4b:s4+s20], $0x10, s25, s20, $0xb8;
	[tilespmem:$0x1F040] =	vst v63  }
0x129: {  	s17 =	rddreg [dreg:$0xa]  }
0x12a: {  	[tilespmem:s30], [sflag:$0x1] =	stream.indirect.gather [hbm4b:s4+s20], $0x10, s17, s20, $0xb8;
	[tilespmem:$0x1F040] =	vst v63  }
0x12b: {  	s25 =	rddreg [dreg:$0xb]  }
0x12c: {  	[tilespmem:s31], [sflag:$0x1] =	stream.indirect.gather [hbm4b:s4+s20], $0x10, s25, s20, $0xb8;
	[tilespmem:$0x1F040] =	vst v63  }
0x12d: {  	_ = 	snop  }
0x12e: {  	[tilespmem:s0], [sflag:$0x1] =	stream.indirect.gather [hbm4b:s4+s20], $0x10, s1, s20, $0xb8;
	[tilespmem:$0x1F040] =	vst v63  }
0x12f: {  	_ =	swait.ge [sflag:s5], $0x500  }
0x130: {  	[sflag:s5] =	ssyncset.done $0x0  }
0x131: {  	[sflag:s5] =	ssyncadd.s32 $0xFFFFFB00  }
0x132: {  	_ =	swait.ge [sflag:s5], $0x500  }
0x133: {  	[sflag:s5] =	ssyncset.done $0x0  }
0x134: {  	[sflag:s5] =	ssyncadd.s32 $0xFFFFFB00  }
0x135: {  	_ =	swait.ge [sflag:s5], $0x500  }
0x136: {  	[sflag:s5] =	ssyncset.done $0x0  }
0x137: {  	[sflag:s5] =	ssyncadd.s32 $0xFFFFFB00  }
0x138: {  	_ =	swait.ge [sflag:s5], $0x500  }
0x139: {  	[sflag:s5] =	ssyncset.done $0x0  }
0x13a: {  	[sflag:s5] =	ssyncadd.s32 $0xFFFFFB00  }
0x13b: {  	_ =	swait.ge [sflag:s5], $0x500  }
0x13c: {  	[sflag:s5] =	ssyncset.done $0x0  }
0x13d: {  	[sflag:s5] =	ssyncadd.s32 $0xFFFFFB00  }
0x13e: {  	_ =	swait.ge [sflag:s5], $0x500  }
0x13f: {  	[sflag:s5] =	ssyncset.done $0x0  }
0x140: {  	[sflag:s5] =	ssyncadd.s32 $0xFFFFFB00  }
0x141: {  	_ =	swait.ge [sflag:s5], $0x500  }
0x142: {  	[sflag:s5] =	ssyncset.done $0x0  }
0x143: {  	[sflag:s5] =	ssyncadd.s32 $0xFFFFFB00  }
0x144: {  	_ =	swait.ge [sflag:s5], $0x500  }
0x145: {  	[sflag:s5] =	ssyncset.done $0x0  }
0x146: {  	[sflag:s5] =	ssyncadd.s32 $0xFFFFFB00  }
0x147: {  	_ =	swait.ge [sflag:s5], $0x500  }
0x148: {  	[sflag:s5] =	ssyncset.done $0x0  }
0x149: {  	[sflag:s5] =	ssyncadd.s32 $0xFFFFFB00  }
0x14a: {  	_ =	swait.ge [sflag:s5], $0x500  }
0x14b: {  	[sflag:s5] =	ssyncset.done $0x0  }
0x14c: {  	[sflag:s5] =	ssyncadd.s32 $0xFFFFFB00  }
0x14d: {  	[spmem:s2] =	stream.indirect.scatter.add.f32 [tilespmem:s21], [sflag:$0x2], $0x10, s19, s20, $0xb8;
	[tilespmem:$0x1F040] =	vst v63  }
0x14e: {  	_ =	swait.ge [sflag:s18], $0x500  }
0x14f: {  	[sflag:s18] =	ssyncset.done $0x0  }
0x150: {  	[sflag:s18] =	ssyncadd.s32 $0xFFFFFB00  }
0x151: {  	[spmem:s2] =	stream.indirect.scatter.add.f32 [tilespmem:s22], [sflag:$0x2], $0x10, s6, s20, $0xb8;
	[tilespmem:$0x1F040] =	vst v63  }
0x152: {  	_ =	swait.ge [sflag:s18], $0x500  }
0x153: {  	[sflag:s18] =	ssyncset.done $0x0  }
0x154: {  	[sflag:s18] =	ssyncadd.s32 $0xFFFFFB00  }
0x155: {  	[spmem:s2] =	stream.indirect.scatter.add.f32 [tilespmem:s23], [sflag:$0x2], $0x10, s8, s20, $0xb8;
	[tilespmem:$0x1F040] =	vst v63  }
0x156: {  	_ =	swait.ge [sflag:s18], $0x500  }
0x157: {  	[sflag:s18] =	ssyncset.done $0x0  }
0x158: {  	[sflag:s18] =	ssyncadd.s32 $0xFFFFFB00  }
0x159: {  	[spmem:s2] =	stream.indirect.scatter.add.f32 [tilespmem:s24], [sflag:$0x2], $0x10, s9, s20, $0xb8;
	[tilespmem:$0x1F040] =	vst v63  }
0x15a: {  	_ =	swait.ge [sflag:s18], $0x500  }
0x15b: {  	[sflag:s18] =	ssyncset.done $0x0  }
0x15c: {  	[sflag:s18] =	ssyncadd.s32 $0xFFFFFB00  }
0x15d: {  	[spmem:s2] =	stream.indirect.scatter.add.f32 [tilespmem:s26], [sflag:$0x2], $0x10, s10, s20, $0xb8;
	[tilespmem:$0x1F040] =	vst v63  }
0x15e: {  	_ =	swait.ge [sflag:s18], $0x500  }
0x15f: {  	[sflag:s18] =	ssyncset.done $0x0  }
0x160: {  	[sflag:s18] =	ssyncadd.s32 $0xFFFFFB00  }
0x161: {  	[spmem:s2] =	stream.indirect.scatter.add.f32 [tilespmem:s28], [sflag:$0x2], $0x10, s11, s20, $0xb8;
	[tilespmem:$0x1F040] =	vst v63  }
0x162: {  	_ =	swait.ge [sflag:s18], $0x500  }
0x163: {  	[sflag:s18] =	ssyncset.done $0x0  }
0x164: {  	[sflag:s18] =	ssyncadd.s32 $0xFFFFFB00  }
0x165: {  	[spmem:s2] =	stream.indirect.scatter.add.f32 [tilespmem:s29], [sflag:$0x2], $0x10, s12, s20, $0xb8;
	[tilespmem:$0x1F040] =	vst v63  }
0x166: {  	_ =	swait.ge [sflag:s18], $0x500  }
0x167: {  	[sflag:s18] =	ssyncset.done $0x0  }
0x168: {  	[sflag:s18] =	ssyncadd.s32 $0xFFFFFB00  }
0x169: {  	[spmem:s2] =	stream.indirect.scatter.add.f32 [tilespmem:s30], [sflag:$0x2], $0x10, s13, s20, $0xb8;
	[tilespmem:$0x1F040] =	vst v63  }
0x16a: {  	_ =	swait.ge [sflag:s18], $0x500  }
0x16b: {  	[sflag:s18] =	ssyncset.done $0x0  }
0x16c: {  	[sflag:s18] =	ssyncadd.s32 $0xFFFFFB00  }
0x16d: {  	[spmem:s2] =	stream.indirect.scatter.add.f32 [tilespmem:s31], [sflag:$0x2], $0x10, s14, s20, $0xb8;
	[tilespmem:$0x1F040] =	vst v63  }
0x16e: {  	_ =	swait.ge [sflag:s18], $0x500  }
0x16f: {  	[sflag:s18] =	ssyncset.done $0x0  }
0x170: {  	[sflag:s18] =	ssyncadd.s32 $0xFFFFFB00  }
0x171: {  	[spmem:s2] =	stream.indirect.scatter.add.f32 [tilespmem:s0], [sflag:$0x2], $0x10, s15, s20, $0xb8;
	[tilespmem:$0x1F040] =	vst v63  }
0x172: {  	_ =	swait.ge [sflag:s18], $0x500  }
0x173: {  	[sflag:s18] =	ssyncset.done $0x0  }
0x174: {  	[sflag:s18] =	ssyncadd.s32 $0xFFFFFB00  }
0x175: {  	s16 =	stileid.u32;
	[bflag:$0x0] =	sbarrier.arrive $0xFFFF  }
0x176: {  	s7 =	sshll.u32 s16, $0x6;
	s17 =	rddreg [dreg:$0xc]  }
0x177: {  	s7 =	sor.u32 $0x1C02, s7;
	s25 =	rddreg [dreg:$0x18]  }
0x178: {  	[hbm:s17], [sflag:s7] =	dma.local [spmem:s25], $0x3200  }
0x179: {  	_ =	swait.ge [sflag:s18], $0x3200  }
0x17a: {  	s17 =	rddreg [dreg:$0x19]  }
0x17b: {  	s25 =	rddreg [dreg:$0xd];
	s16 =	sadd.s32 $0x1, s17  }
0x17c: {  	p0 =	sne.s32 s16, s25  }
.Ltmp2:
0x17d: {  	_ = 	snop;
	(pc) =	sbr.rel @p0 .LBB2_1-.Ltmp2, $3  }
0x17e: {  	_ =	sdelay $0x1  }
0x17f: {  	[sflag:s18] =	ssyncset.done $0x0  }
0x180: {  	[sflag:s18] =	ssyncadd.s32 $0xFFFFCE00  }
0x181: {  	_ =	sfence.sel $0x180000  }
0x182: {  	[bflag:$0x0] =	sbarrier.arrive $0xFFFF  }
0x183: {  	_ =	strace $0x9000004A  }
0x184: {  	s0 =	stileid.u32;
	[bflag:$0x2] =	sbarrier.arrive $0xFFFF  }
0x185: {  	p0 =	sne.s32 s0, $0x0;
	s0 =	rddreg [dreg:$0x2]  }
0x186: {  	s0 =	sadd.s32 @!p0 $0x100000, s0  }
0x187: {  	[sflag:s0] =	ssyncadd.tile.s32 @!p0 $0x1;
	_ =	shalt  }
.Lfunc_end2:
_tile_overlayer_lowered:
.L_overlay_start_2:
0x188: {  	(tag) =	ssettag $0x2  }
0x189: {  	s0 =	rddreg [dreg:$0x0];
	s2 =	stileid.u32  }
0x18a: {  	s1 =	rddreg [dreg:$0x1];
	p0 =	sne.s32 s2, $0x0  }
0x18b: {  	s3 =	rddreg [dreg:$0x2];
	[bflag:$0x3] =	sbarrier.arrive $0xFFFF;
	s2 =	simm.s32 @!p0 $0x1C02  }
0x18c: {  	[timem:s3], [sflag:s2] =	dma.local @!p0 [hbm:s0], s1  }
0x18d: {  	s0 =	simm.s32 @!p0 $0x2  }
0x18e: {  	_ =	swait.ge @!p0 [sflag:s0], s1  }
0x18f: {  	s1 =	ssub.s32 @!p0 $0x0, s1;
	[sflag:s0] =	ssyncset.done @!p0 $0x0  }
0x190: {  	[sflag:s0] =	ssyncadd.s32 @!p0 s1  }
0x191: {  	[bflag:$0x3] =	sbarrier.arrive $0xFFFF  }
0x192: {  	_ =	shalt  }

</sc_bundles>
